<compile_context>
chip_gen: v7x
topology: tpu7x:2x2x1
jax: 0.10.2.dev20260603
libtpu: 0.0.44.dev20260713+nightly
codegen_flags: <defaults>
</compile_context>

<pallas_src>
import functools

import jax
import jax.numpy as jnp
from jax import lax
from jax.experimental import pallas as pl
from jax.experimental.pallas import tpu as pltpu
from jax.experimental.pallas import tpu_sc as plsc

TOP_K = 20
GROUP = 128
CHUNK = 8192
BU = 128
BUF = 128
GLIST = 48
OUTW = 32
NEG_INF = float("-inf")
BIG_I32 = 2**31 - 1


def _score_kernel(u_ref, t_ref, s_ref, a_ref, msc, *, n_tags, n_chunks):
    mscw = n_chunks * 128
    gpc = CHUNK // GROUP
    c = pl.program_id(1)
    u = u_ref[...]
    t_chunk = t_ref[...]
    scores = lax.dot_general(
        u, t_chunk,
        dimension_numbers=(((1,), (1,)), ((), ())),
        preferred_element_type=jnp.float32,
    )
    gidx = c * CHUNK + lax.broadcasted_iota(jnp.int32, (BU, CHUNK), 1)
    scores = jnp.where(gidx < n_tags, scores, NEG_INF)
    s_ref[...] = scores

    gm = jnp.max(scores.reshape(BU, gpc, GROUP), axis=-1)
    pad = jnp.full((BU, 128 - gpc), NEG_INF, jnp.float32)
    msc[:, pl.ds(c * 128, 128)] = jnp.concatenate([gm, pad], axis=1)

    @pl.when(c == n_chunks - 1)
    def _():
        morig = msc[...]
        gix = lax.broadcasted_iota(jnp.int32, (BU, mscw), 1)
        lanes = lax.broadcasted_iota(jnp.int32, (BU, GLIST), 1)

        def ext_body(k, carry):
            work, acc = carry
            mx = jnp.max(work, axis=1, keepdims=True)
            sel = jnp.min(jnp.where(work == mx, gix, BIG_I32), axis=1,
                          keepdims=True)
            acc = jnp.where(lanes == k, sel, acc)
            work = jnp.where(gix == sel, NEG_INF, work)
            return work, acc

        _, ids = lax.fori_loop(
            0, GLIST, ext_body, (morig, jnp.zeros((BU, GLIST), jnp.int32)))
        a_ref[...] = (ids >> 7) * gpc + (ids & 127)


def _gather_kernel(s2_hbm, a_hbm, out_hbm, auxv, bidv, gbuf, sem, *,
                   n_groups, rows_per_worker):
    wid = lax.axis_index("s") * 2 + lax.axis_index("c")

    def row_body(r, _carry):
        u = wid * rows_per_worker + r
        pltpu.sync_copy(a_hbm.at[u], auxv)
        for kk in range(GLIST // 16):
            bidv[pl.ds(kk * 16, 16)] = (auxv[pl.ds(kk * 16, 16)]
                                        + u * n_groups)
        pltpu.async_copy(s2_hbm.at[bidv], gbuf, sem).wait()
        pltpu.sync_copy(gbuf, out_hbm.at[u])
        return _carry

    lax.fori_loop(0, rows_per_worker, row_body, 0)


def _final_kernel(c_ref, a_ref, o_ref):
    w = GLIST * GROUP
    vals = c_ref[...]
    gl = a_ref[...]
    base = gl.reshape(BUF, GLIST, 1) * GROUP
    lane = lax.broadcasted_iota(jnp.int32, (BUF, GLIST, GROUP), 2)
    wids = (base + lane).reshape(BUF, w)
    lane32 = lax.broadcasted_iota(jnp.int32, (BUF, OUTW), 1)

    work = vals
    out = jnp.zeros((BUF, OUTW), jnp.int32)
    for k in range(TOP_K):
        mx = jnp.max(work, axis=1, keepdims=True)
        sel = jnp.min(jnp.where(work == mx, wids, BIG_I32), axis=1,
                      keepdims=True)
        out = jnp.where(lane32 == k, sel, out)
        work = jnp.where(wids == sel, NEG_INF, work)
    o_ref[...] = out


def kernel(user_embs_raw, tags_embedding_table):
    n_users, dim = user_embs_raw.shape
    n_tags = tags_embedding_table.shape[0]
    n_chunks = (n_tags + CHUNK - 1) // CHUNK
    n_tags_pad = n_chunks * CHUNK
    n_groups = n_tags_pad // GROUP
    tags_pad = jnp.pad(tags_embedding_table, ((0, n_tags_pad - n_tags), (0, 0)))

    scores, aux = pl.pallas_call(
        functools.partial(_score_kernel, n_tags=n_tags, n_chunks=n_chunks),
        grid=(n_users // BU, n_chunks),
        in_specs=[
            pl.BlockSpec((BU, dim), lambda i, c: (i, 0)),
            pl.BlockSpec((CHUNK, dim), lambda i, c: (c, 0)),
        ],
        out_specs=[
            pl.BlockSpec((BU, CHUNK), lambda i, c: (i, c)),
            pl.BlockSpec((BU, GLIST), lambda i, c: (i, 0)),
        ],
        out_shape=[
            jax.ShapeDtypeStruct((n_users, n_tags_pad), jnp.float32),
            jax.ShapeDtypeStruct((n_users, GLIST), jnp.int32),
        ],
        scratch_shapes=[pltpu.VMEM((BU, n_chunks * 128), jnp.float32)],
    )(user_embs_raw, tags_pad)

    s2 = scores.reshape(n_users * n_groups, GROUP)
    rows_per_worker = n_users // 32

    mesh = plsc.VectorSubcoreMesh(core_axis_name="c", subcore_axis_name="s")
    compact = pl.kernel(
        functools.partial(_gather_kernel, n_groups=n_groups,
                          rows_per_worker=rows_per_worker),
        mesh=mesh,
        out_type=jax.ShapeDtypeStruct((n_users, GLIST, GROUP), jnp.float32),
        scratch_types=[
            pltpu.VMEM((GLIST,), jnp.int32),
            pltpu.VMEM((GLIST,), jnp.int32),
            pltpu.VMEM((GLIST, GROUP), jnp.float32),
            pltpu.SemaphoreType.DMA,
        ],
    )(s2, aux)

    out = pl.pallas_call(
        _final_kernel,
        grid=(n_users // BUF,),
        in_specs=[
            pl.BlockSpec((BUF, GLIST * GROUP), lambda i: (i, 0)),
            pl.BlockSpec((BUF, GLIST), lambda i: (i, 0)),
        ],
        out_specs=pl.BlockSpec((BUF, OUTW), lambda i: (i, 0)),
        out_shape=jax.ShapeDtypeStruct((n_users, OUTW), jnp.int32),
    )(compact.reshape(n_users, GLIST * GROUP), aux)
    return out[:, :TOP_K]

# --- scband reference (transcript-rebuilt; emitter-appended) ---
"""Pipeline reference for scband-predict-tags-layer-17875653886244 (READ-ONLY COPY).

The authoritative reference and input builder live on the scoring server;
editing this copy changes nothing except your own understanding.
"""

import jax, jax.numpy as jnp
import numpy as np


def setup_inputs(seed: int = 0) -> dict:
    key = jax.random.key(seed)
    k1, k2 = jax.random.split(key)
    user_embs_raw = jax.random.normal(k1, (1024, 16), dtype=jnp.float32)
    tags_embedding_table = jax.random.normal(k2, (100000, 16), dtype=jnp.float32)
    return {"user_embs_raw": user_embs_raw, "tags_embedding_table": tags_embedding_table}


def reference(user_embs_raw, tags_embedding_table):
    top_k = 20
    # Original: tile user embs over tags, tile tags over users, elementwise
    # multiply and reduce-sum along the feature dim. Mathematically this is
    # the dense score matrix users @ tags^T.
    score_matrix = jnp.einsum('ud,td->ut', user_embs_raw, tags_embedding_table)
    # argsort descending, take top_k indices (tf.argsort DESCENDING + slice)
    _, tag_idx_matrix = jax.lax.top_k(score_matrix, top_k)
    return tag_idx_matrix.astype(jnp.int32)

if __name__ == "__main__":
    import jax
    _d = setup_inputs()
    print(jax.jit(kernel)(*tuple(_d.values())))

</pallas_src>

<mosaic_0001>
#map = affine_map<(d0, d1) -> (0, 0)>
#map1 = affine_map<(d0, d1) -> (0, 0, 0)>
module attributes {stable_mosaic.version = 14 : i64} {
  func.func @_gather_kernel(%arg0: i32, %arg1: i32, %arg2: memref<851968x128xf32, #tpu.memory_space<hbm>>, %arg3: memref<1024x48xi32, #tpu.memory_space<hbm>>, %arg4: memref<1024x48x128xf32, #tpu.memory_space<hbm>>, %arg5: memref<48xi32, #tpu.memory_space<vmem>>, %arg6: memref<48xi32, #tpu.memory_space<vmem>>, %arg7: memref<48x128xf32, #tpu.memory_space<vmem>>, %arg8: memref<!tpu.dma_semaphore, #tpu.memory_space<semaphore_mem>>) attributes {dimension_semantics = [#tpu.dimension_semantics<core_parallel>, #tpu.dimension_semantics<subcore_parallel>], iteration_bounds = array<i64: 2, 16>, scalar_prefetch = 0 : i64, scratch_operands = 4 : i64, tpu.core_type = #tpu.core_type<sc_vector_subcore>, window_params = [{transform_indices = #map}, {transform_indices = #map}, {transform_indices = #map1}]} {
    %mul3A = arith.constant 2 : i32
    %mul3A_0 = arith.muli %arg1, %mul3A : i32
    %add3A = arith.addi %mul3A_0, %arg0 : i32
    %scan3A = arith.constant 0 : i32
    %scan3A_1 = arith.constant 0 : i32
    %scan3A_2 = arith.constant 32 : i32
    %scan3A_3 = arith.addi %scan3A_1, %scan3A_2 : i32
    %scan3A_4 = arith.constant 1 : i32
    scf.for %scan3A_6 = %scan3A_1 to %scan3A_3 step %scan3A_4  : i32 {
      %mul3A_7 = arith.constant 32 : i32
      %mul3A_8 = arith.muli %add3A, %mul3A_7 : i32
      %add3A_9 = arith.addi %mul3A_8, %scan3A_6 : i32
      "tpu.region"() ({
        %run_scoped3A = tpu.sem_alloc : memref<!tpu.dma_semaphore, #tpu.memory_space<semaphore_mem>>
        %dma_start3A_45 = arith.constant 0 : i32
        %dma_start3A_46 = tpu.memref_slice %arg3[%add3A_9, %dma_start3A_45] : memref<1024x48xi32, #tpu.memory_space<hbm>> -> memref<1x48xi32, #tpu.memory_space<hbm>>
        %dma_start3A_47 = tpu.memref_squeeze %dma_start3A_46 : memref<1x48xi32, #tpu.memory_space<hbm>> -> memref<48xi32, #tpu.memory_space<hbm>>
        %dma_start3A_48 = arith.constant 0 : i32
        %dma_start3A_49 = tpu.memref_slice %arg3[%add3A_9, %dma_start3A_48] : memref<1024x48xi32, #tpu.memory_space<hbm>> -> memref<1x48xi32, #tpu.memory_space<hbm>>
        %dma_start3A_50 = tpu.memref_squeeze %dma_start3A_49 : memref<1x48xi32, #tpu.memory_space<hbm>> -> memref<48xi32, #tpu.memory_space<hbm>>
        tpu.enqueue_dma source(%dma_start3A_50 : memref<48xi32, #tpu.memory_space<hbm>>) target(%arg5 : memref<48xi32, #tpu.memory_space<vmem>>) target_semaphore(%run_scoped3A : memref<!tpu.dma_semaphore, #tpu.memory_space<semaphore_mem>>)
        %dma_wait3A_51 = arith.constant 0 : i32
        %dma_wait3A_52 = tpu.memref_slice %arg3[%add3A_9, %dma_wait3A_51] : memref<1024x48xi32, #tpu.memory_space<hbm>> -> memref<1x48xi32, #tpu.memory_space<hbm>>
        %dma_wait3A_53 = tpu.memref_squeeze %dma_wait3A_52 : memref<1x48xi32, #tpu.memory_space<hbm>> -> memref<48xi32, #tpu.memory_space<hbm>>
        %dma_wait3A_54 = arith.constant 0 : i32
        %dma_wait3A_55 = tpu.memref_slice %arg3[%add3A_9, %dma_wait3A_54] : memref<1024x48xi32, #tpu.memory_space<hbm>> -> memref<1x48xi32, #tpu.memory_space<hbm>>
        %dma_wait3A_56 = tpu.memref_squeeze %dma_wait3A_55 : memref<1x48xi32, #tpu.memory_space<hbm>> -> memref<48xi32, #tpu.memory_space<hbm>>
        tpu.wait_dma2 semaphore(%run_scoped3A : memref<!tpu.dma_semaphore, #tpu.memory_space<semaphore_mem>>) src(%dma_wait3A_56 : memref<48xi32, #tpu.memory_space<hbm>>) dst(%arg5 : memref<48xi32, #tpu.memory_space<vmem>>)
        tpu.yield
      }) : () -> ()
      %get3A = arith.constant 0 : index
      %get3A_10 = tpu.vector_load %arg5[%get3A] {strides = array<i32>} : memref<48xi32, #tpu.memory_space<vmem>>, vector<16xi32>,
      %get3A_11 = vector.shape_cast %get3A_10 : vector<16xi32> to vector<16xi32>
      %mul3A_12 = arith.constant 832 : i32
      %mul3A_13 = arith.muli %add3A_9, %mul3A_12 : i32
      %add3A_14 = vector.broadcast %mul3A_13 : i32 to vector<16xi32>
      %add3A_15 = arith.addi %get3A_11, %add3A_14 : vector<16xi32>
      %swap3A = arith.constant 0 : index
      %swap3A_16 = tpu.vector_load %arg6[%swap3A] {strides = array<i32>} : memref<48xi32, #tpu.memory_space<vmem>>, vector<16xi32>,
      %swap3A_17 = vector.shape_cast %swap3A_16 : vector<16xi32> to vector<16xi32>
      %swap3A_18 = vector.shape_cast %add3A_15 : vector<16xi32> to vector<16xi32>
      tpu.vector_store %arg6[%swap3A], %swap3A_18 {strides = array<i32>} : memref<48xi32, #tpu.memory_space<vmem>>, vector<16xi32>,
      %get3A_19 = arith.constant 16 : index
      %get3A_20 = tpu.vector_load %arg5[%get3A_19] {strides = array<i32>} : memref<48xi32, #tpu.memory_space<vmem>>, vector<16xi32>,
      %get3A_21 = vector.shape_cast %get3A_20 : vector<16xi32> to vector<16xi32>
      %mul3A_22 = arith.constant 832 : i32
      %mul3A_23 = arith.muli %add3A_9, %mul3A_22 : i32
      %add3A_24 = vector.broadcast %mul3A_23 : i32 to vector<16xi32>
      %add3A_25 = arith.addi %get3A_21, %add3A_24 : vector<16xi32>
      %swap3A_26 = arith.constant 16 : index
      %swap3A_27 = tpu.vector_load %arg6[%swap3A_26] {strides = array<i32>} : memref<48xi32, #tpu.memory_space<vmem>>, vector<16xi32>,
      %swap3A_28 = vector.shape_cast %swap3A_27 : vector<16xi32> to vector<16xi32>
      %swap3A_29 = vector.shape_cast %add3A_25 : vector<16xi32> to vector<16xi32>
      tpu.vector_store %arg6[%swap3A_26], %swap3A_29 {strides = array<i32>} : memref<48xi32, #tpu.memory_space<vmem>>, vector<16xi32>,
      %get3A_30 = arith.constant 32 : index
      %get3A_31 = tpu.vector_load %arg5[%get3A_30] {strides = array<i32>} : memref<48xi32, #tpu.memory_space<vmem>>, vector<16xi32>,
      %get3A_32 = vector.shape_cast %get3A_31 : vector<16xi32> to vector<16xi32>
      %mul3A_33 = arith.constant 832 : i32
      %mul3A_34 = arith.muli %add3A_9, %mul3A_33 : i32
      %add3A_35 = vector.broadcast %mul3A_34 : i32 to vector<16xi32>
      %add3A_36 = arith.addi %get3A_32, %add3A_35 : vector<16xi32>
      %swap3A_37 = arith.constant 32 : index
      %swap3A_38 = tpu.vector_load %arg6[%swap3A_37] {strides = array<i32>} : memref<48xi32, #tpu.memory_space<vmem>>, vector<16xi32>,
      %swap3A_39 = vector.shape_cast %swap3A_38 : vector<16xi32> to vector<16xi32>
      %swap3A_40 = vector.shape_cast %add3A_36 : vector<16xi32> to vector<16xi32>
      tpu.vector_store %arg6[%swap3A_37], %swap3A_40 {strides = array<i32>} : memref<48xi32, #tpu.memory_space<vmem>>, vector<16xi32>,
      %dma_start3A = arith.constant 0 : i32
      %dma_start3A_41 = arith.constant 0 : i32
      %dma_start3A_42 = tpu.memref_slice %arg2[%dma_start3A, %dma_start3A_41] : memref<851968x128xf32, #tpu.memory_space<hbm>> -> memref<851968x128xf32, #tpu.memory_space<hbm>>
      tpu.enqueue_indirect_dma source(%dma_start3A_42 : memref<851968x128xf32, #tpu.memory_space<hbm>>) target(%arg7 : memref<48x128xf32, #tpu.memory_space<vmem>>) offsets(%arg6 : memref<48xi32, #tpu.memory_space<vmem>>) semaphore(%arg8 : memref<!tpu.dma_semaphore, #tpu.memory_space<semaphore_mem>>)
      %dma_wait3A = arith.constant 0 : i32
      %dma_wait3A_43 = arith.constant 0 : i32
      %dma_wait3A_44 = tpu.memref_slice %arg2[%dma_wait3A, %dma_wait3A_43] : memref<851968x128xf32, #tpu.memory_space<hbm>> -> memref<851968x128xf32, #tpu.memory_space<hbm>>
      tpu.wait_indirect_dma semaphore(%arg8 : memref<!tpu.dma_semaphore, #tpu.memory_space<semaphore_mem>>) src(%dma_wait3A_44 : memref<851968x128xf32, #tpu.memory_space<hbm>>) dst(%arg7 : memref<48x128xf32, #tpu.memory_space<vmem>>)
      "tpu.region"() ({
        %run_scoped3A = tpu.sem_alloc : memref<!tpu.dma_semaphore, #tpu.memory_space<semaphore_mem>>
        %dma_start3A_45 = arith.constant 0 : i32
        %dma_start3A_46 = arith.constant 0 : i32
        %dma_start3A_47 = tpu.memref_slice %arg4[%add3A_9, %dma_start3A_45, %dma_start3A_46] : memref<1024x48x128xf32, #tpu.memory_space<hbm>> -> memref<1x48x128xf32, #tpu.memory_space<hbm>>
        %dma_start3A_48 = tpu.memref_squeeze %dma_start3A_47 : memref<1x48x128xf32, #tpu.memory_space<hbm>> -> memref<48x128xf32, #tpu.memory_space<hbm>>
        %dma_start3A_49 = arith.constant 0 : i32
        %dma_start3A_50 = arith.constant 0 : i32
        %dma_start3A_51 = tpu.memref_slice %arg4[%add3A_9, %dma_start3A_49, %dma_start3A_50] : memref<1024x48x128xf32, #tpu.memory_space<hbm>> -> memref<1x48x128xf32, #tpu.memory_space<hbm>>
        %dma_start3A_52 = tpu.memref_squeeze %dma_start3A_51 : memref<1x48x128xf32, #tpu.memory_space<hbm>> -> memref<48x128xf32, #tpu.memory_space<hbm>>
        tpu.enqueue_dma source(%arg7 : memref<48x128xf32, #tpu.memory_space<vmem>>) target(%dma_start3A_52 : memref<48x128xf32, #tpu.memory_space<hbm>>) target_semaphore(%run_scoped3A : memref<!tpu.dma_semaphore, #tpu.memory_space<semaphore_mem>>)
        %dma_wait3A_53 = arith.constant 0 : i32
        %dma_wait3A_54 = arith.constant 0 : i32
        %dma_wait3A_55 = tpu.memref_slice %arg4[%add3A_9, %dma_wait3A_53, %dma_wait3A_54] : memref<1024x48x128xf32, #tpu.memory_space<hbm>> -> memref<1x48x128xf32, #tpu.memory_space<hbm>>
        %dma_wait3A_56 = tpu.memref_squeeze %dma_wait3A_55 : memref<1x48x128xf32, #tpu.memory_space<hbm>> -> memref<48x128xf32, #tpu.memory_space<hbm>>
        %dma_wait3A_57 = arith.constant 0 : i32
        %dma_wait3A_58 = arith.constant 0 : i32
        %dma_wait3A_59 = tpu.memref_slice %arg4[%add3A_9, %dma_wait3A_57, %dma_wait3A_58] : memref<1024x48x128xf32, #tpu.memory_space<hbm>> -> memref<1x48x128xf32, #tpu.memory_space<hbm>>
        %dma_wait3A_60 = tpu.memref_squeeze %dma_wait3A_59 : memref<1x48x128xf32, #tpu.memory_space<hbm>> -> memref<48x128xf32, #tpu.memory_space<hbm>>
        tpu.wait_dma2 semaphore(%run_scoped3A : memref<!tpu.dma_semaphore, #tpu.memory_space<semaphore_mem>>) src(%arg7 : memref<48x128xf32, #tpu.memory_space<vmem>>) dst(%dma_wait3A_60 : memref<48x128xf32, #tpu.memory_space<hbm>>)
        tpu.yield
      }) : () -> ()
    }
    %scan3A_5 = arith.constant 32 : i32
    return
  }
}

module attributes {stable_mosaic.version = 14 : i64} {
  func.func @_score_kernel(%arg0: i32, %arg1: i32, %arg2: memref<128x16xf32, #tpu.memory_space<vmem>>, %arg3: memref<8192x16xf32, #tpu.memory_space<vmem>>, %arg4: memref<128x8192xf32, #tpu.memory_space<vmem>>, %arg5: memref<128x48xi32, #tpu.memory_space<vmem>>, %arg6: memref<128x1664xf32, #tpu.memory_space<vmem>>) attributes {dimension_semantics = [#tpu.dimension_semantics<arbitrary>, #tpu.dimension_semantics<arbitrary>], iteration_bounds = array<i64: 8, 13>, scalar_prefetch = 0 : i64, scratch_operands = 1 : i64, tpu.core_type = #tpu.core_type<tc>, window_params = [{transform_indices = @transform_0, window_bounds = array<i64: 128, 16>}, {transform_indices = @transform_1, window_bounds = array<i64: 8192, 16>}, {transform_indices = @transform_2, window_bounds = array<i64: 128, 8192>}, {transform_indices = @transform_3, window_bounds = array<i64: 128, 48>}]} {
    %get3A = arith.constant 0 : index
    %get3A_0 = arith.constant 0 : index
    %get3A_1 = vector.load %arg2[%get3A, %get3A_0] : memref<128x16xf32, #tpu.memory_space<vmem>>, vector<128x16xf32>
    %get3A_2 = arith.constant 0 : index
    %get3A_3 = arith.constant 0 : index
    %get3A_4 = vector.load %arg3[%get3A_2, %get3A_3] : memref<8192x16xf32, #tpu.memory_space<vmem>>, vector<8192x16xf32>
    %dot_general3A = arith.constant dense<0.000000e+00> : vector<128x8192xf32>
    %dot_general3A_5 = tpu.matmul %get3A_1, %get3A_4, %dot_general3A {dimension_numbers = #tpu.dot_dimension_numbers<[1], [1], [0], [0], [0, 0, 1, 0], [], []>, transpose_lhs_hint = false} : vector<128x16xf32>, vector<8192x16xf32>, vector<128x8192xf32> -> vector<128x8192xf32>
    %mul3A = arith.constant 8192 : i32
    %mul3A_6 = arith.muli %arg1, %mul3A : i32
    %iota3A = tpu.iota {dimensions = array<i32: 1>} : vector<128x8192xi32>
    %add3A = vector.broadcast %mul3A_6 : i32 to vector<128x8192xi32>
    %add3A_7 = arith.addi %add3A, %iota3A : vector<128x8192xi32>
    %lt3A = arith.constant 100000 : i32
    %lt3A_8 = vector.broadcast %lt3A : i32 to vector<128x8192xi32>
    %lt3A_9 = arith.cmpi slt, %add3A_7, %lt3A_8 : vector<128x8192xi32>
    %jit3A = arith.constant 0xFF800000 : f32
    %broadcast_in_dim3A = vector.broadcast %jit3A : f32 to vector<128x8192xf32>
    %select_n3A = arith.select %lt3A_9, %dot_general3A_5, %broadcast_in_dim3A : vector<128x8192xi1>, vector<128x8192xf32>
    %swap3A = arith.constant 0 : index
    %swap3A_10 = arith.constant 0 : index
    %swap3A_11 = vector.load %arg4[%swap3A, %swap3A_10] : memref<128x8192xf32, #tpu.memory_space<vmem>>, vector<128x8192xf32>
    tpu.vector_store %arg4[%swap3A, %swap3A_10], %select_n3A {strides = array<i32>} : memref<128x8192xf32, #tpu.memory_space<vmem>>, vector<128x8192xf32>,
    %reshape3A = vector.shape_cast %select_n3A : vector<128x8192xf32> to vector<128x64x128xf32>
    %reduce_max3A = arith.constant dense<0xFF800000> : vector<128x64xf32>
    %reduce_max3A_12 = vector.multi_reduction <maximumf>, %reshape3A, %reduce_max3A [2] : vector<128x64x128xf32> to vector<128x64xf32>
    %broadcast_in_dim3A_13 = arith.constant 0xFF800000 : f32
    %broadcast_in_dim3A_14 = vector.broadcast %broadcast_in_dim3A_13 : f32 to vector<128x64xf32>
    %concatenate3A = tpu.concatenate %reduce_max3A_12, %broadcast_in_dim3A_14 in 1 : vector<128x64xf32>, vector<128x64xf32> -> vector<128x128xf32>
    %mul3A_15 = arith.constant 128 : i32
    %mul3A_16 = arith.muli %arg1, %mul3A_15 : i32
    %swap3A_17 = arith.constant 0 : index
    %swap3A_18 = arith.index_cast %mul3A_16 : i32 to index
    %swap3A_19 = vector.load %arg6[%swap3A_17, %swap3A_18] : memref<128x1664xf32, #tpu.memory_space<vmem>>, vector<128x128xf32>
    tpu.vector_store %arg6[%swap3A_17, %swap3A_18], %concatenate3A {strides = array<i32>} : memref<128x1664xf32, #tpu.memory_space<vmem>>, vector<128x128xf32>,
    %eq3A = arith.constant 12 : i32
    %eq3A_20 = arith.cmpi eq, %arg1, %eq3A : i32
    %convert_element_type3A = arith.extui %eq3A_20 : i1 to i32
    %cond3A = arith.constant 0 : i32
    %cond3A_21 = arith.cmpi ne, %convert_element_type3A, %cond3A : i32
    scf.if %cond3A_21 {
      %get3A_22 = arith.constant 0 : index
      %get3A_23 = arith.constant 0 : index
      %get3A_24 = vector.load %arg6[%get3A_22, %get3A_23] : memref<128x1664xf32, #tpu.memory_space<vmem>>, vector<128x1664xf32>
      %iota3A_25 = tpu.iota {dimensions = array<i32: 1>} : vector<128x1664xi32>
      %iota3A_26 = tpu.iota {dimensions = array<i32: 1>} : vector<128x48xi32>
      %broadcast_in_dim3A_27 = arith.constant 0 : i32
      %broadcast_in_dim3A_28 = vector.broadcast %broadcast_in_dim3A_27 : i32 to vector<128x48xi32>
      %scan3A = arith.constant 0 : i32
      %scan3A_29 = arith.constant 48 : i32
      %scan3A_30 = arith.addi %scan3A, %scan3A_29 : i32
      %scan3A_31 = arith.constant 1 : i32
      %scan3A_32:2 = scf.for %scan3A_45 = %scan3A to %scan3A_30 step %scan3A_31 iter_args(%scan3A_46 = %get3A_24, %scan3A_47 = %broadcast_in_dim3A_28) -> (vector<128x1664xf32>, vector<128x48xi32>)  : i32 {
        %reduce_max3A_48 = arith.constant dense<0xFF800000> : vector<128xf32>
        %reduce_max3A_49 = vector.multi_reduction <maximumf>, %scan3A_46, %reduce_max3A_48 [1] : vector<128x1664xf32> to vector<128xf32>
        %broadcast_in_dim3A_50 = vector.shape_cast %reduce_max3A_49 : vector<128xf32> to vector<128x1xf32>
        %eq3A_51 = vector.broadcast %broadcast_in_dim3A_50 : vector<128x1xf32> to vector<128x1664xf32>
        %eq3A_52 = arith.cmpf oeq, %scan3A_46, %eq3A_51 : vector<128x1664xf32>
        %jit3A_53 = arith.constant 2147483647 : i32
        %broadcast_in_dim3A_54 = vector.broadcast %jit3A_53 : i32 to vector<128x1664xi32>
        %select_n3A_55 = arith.select %eq3A_52, %iota3A_25, %broadcast_in_dim3A_54 : vector<128x1664xi1>, vector<128x1664xi32>
        %reduce_min3A = arith.constant dense<2147483647> : vector<128xi32>
        %reduce_min3A_56 = vector.multi_reduction <minsi>, %select_n3A_55, %reduce_min3A [1] : vector<128x1664xi32> to vector<128xi32>
        %broadcast_in_dim3A_57 = vector.shape_cast %reduce_min3A_56 : vector<128xi32> to vector<128x1xi32>
        %eq3A_58 = vector.broadcast %scan3A_45 : i32 to vector<128x48xi32>
        %eq3A_59 = arith.cmpi eq, %iota3A_26, %eq3A_58 : vector<128x48xi32>
        %broadcast_in_dim3A_60 = vector.shape_cast %broadcast_in_dim3A_57 : vector<128x1xi32> to vector<128x1xi32>
        %broadcast_in_dim3A_61 = vector.broadcast %broadcast_in_dim3A_60 : vector<128x1xi32> to vector<128x48xi32>
        %select_n3A_62 = arith.select %eq3A_59, %broadcast_in_dim3A_61, %scan3A_47 : vector<128x48xi1>, vector<128x48xi32>
        %eq3A_63 = vector.broadcast %broadcast_in_dim3A_57 : vector<128x1xi32> to vector<128x1664xi32>
        %eq3A_64 = arith.cmpi eq, %iota3A_25, %eq3A_63 : vector<128x1664xi32>
        %jit3A_65 = arith.constant 0xFF800000 : f32
        %broadcast_in_dim3A_66 = vector.broadcast %jit3A_65 : f32 to vector<128x1664xf32>
        %select_n3A_67 = arith.select %eq3A_64, %broadcast_in_dim3A_66, %scan3A_46 : vector<128x1664xi1>, vector<128x1664xf32>
        scf.yield %select_n3A_67, %select_n3A_62 : vector<128x1664xf32>, vector<128x48xi32>
      }
      %scan3A_33 = arith.constant 48 : i32
      %shift_right_arithmetic3A = arith.constant 7 : i32
      %shift_right_arithmetic3A_34 = vector.broadcast %shift_right_arithmetic3A : i32 to vector<128x48xi32>
      %shift_right_arithmetic3A_35 = arith.shrsi %scan3A_32#1, %shift_right_arithmetic3A_34 : vector<128x48xi32>
      %mul3A_36 = arith.constant 64 : i32
      %mul3A_37 = vector.broadcast %mul3A_36 : i32 to vector<128x48xi32>
      %mul3A_38 = arith.muli %shift_right_arithmetic3A_35, %mul3A_37 : vector<128x48xi32>
      %and3A = arith.constant 127 : i32
      %and3A_39 = vector.broadcast %and3A : i32 to vector<128x48xi32>
      %and3A_40 = arith.andi %scan3A_32#1, %and3A_39 : vector<128x48xi32>
      %add3A_41 = arith.addi %mul3A_38, %and3A_40 : vector<128x48xi32>
      %swap3A_42 = arith.constant 0 : index
      %swap3A_43 = arith.constant 0 : index
      %swap3A_44 = vector.load %arg5[%swap3A_42, %swap3A_43] : memref<128x48xi32, #tpu.memory_space<vmem>>, vector<128x48xi32>
      tpu.vector_store %arg5[%swap3A_42, %swap3A_43], %add3A_41 {strides = array<i32>} : memref<128x48xi32, #tpu.memory_space<vmem>>, vector<128x48xi32>,
    } else {
    }
    return
  }
  func.func @transform_0(%arg0: i32, %arg1: i32) -> (i32, i32) {
    %c0_i32 = arith.constant 0 : i32
    %c0_i32_0 = arith.constant 0 : i32
    return %arg0, %c0_i32 : i32, i32
  }
  func.func @transform_1(%arg0: i32, %arg1: i32) -> (i32, i32) {
    %c0_i32 = arith.constant 0 : i32
    %c0_i32_0 = arith.constant 0 : i32
    return %arg1, %c0_i32 : i32, i32
  }
  func.func @transform_2(%arg0: i32, %arg1: i32) -> (i32, i32) {
    %c0_i32 = arith.constant 0 : i32
    return %arg0, %arg1 : i32, i32
  }
  func.func @transform_3(%arg0: i32, %arg1: i32) -> (i32, i32) {
    %c0_i32 = arith.constant 0 : i32
    %c0_i32_0 = arith.constant 0 : i32
    return %arg0, %c0_i32 : i32, i32
  }
}

module attributes {stable_mosaic.version = 14 : i64} {
  func.func @_final_kernel(%arg0: i32, %arg1: memref<128x6144xf32, #tpu.memory_space<vmem>>, %arg2: memref<128x48xi32, #tpu.memory_space<vmem>>, %arg3: memref<128x32xi32, #tpu.memory_space<vmem>>) attributes {dimension_semantics = [#tpu.dimension_semantics<arbitrary>], iteration_bounds = array<i64: 8>, scalar_prefetch = 0 : i64, scratch_operands = 0 : i64, tpu.core_type = #tpu.core_type<tc>, window_params = [{transform_indices = @transform_0, window_bounds = array<i64: 128, 6144>}, {transform_indices = @transform_1, window_bounds = array<i64: 128, 48>}, {transform_indices = @transform_2, window_bounds = array<i64: 128, 32>}]} {
    %get3A = arith.constant 0 : index
    %get3A_0 = arith.constant 0 : index
    %get3A_1 = vector.load %arg1[%get3A, %get3A_0] : memref<128x6144xf32, #tpu.memory_space<vmem>>, vector<128x6144xf32>
    %get3A_2 = arith.constant 0 : index
    %get3A_3 = arith.constant 0 : index
    %get3A_4 = vector.load %arg2[%get3A_2, %get3A_3] : memref<128x48xi32, #tpu.memory_space<vmem>>, vector<128x48xi32>
    %reshape3A = vector.shape_cast %get3A_4 : vector<128x48xi32> to vector<128x48x1xi32>
    %mul3A = arith.constant 128 : i32
    %mul3A_5 = vector.broadcast %mul3A : i32 to vector<128x48x1xi32>
    %mul3A_6 = arith.muli %reshape3A, %mul3A_5 : vector<128x48x1xi32>
    %iota3A = tpu.iota {dimensions = array<i32: 2>} : vector<128x48x128xi32>
    %add3A = vector.broadcast %mul3A_6 : vector<128x48x1xi32> to vector<128x48x128xi32>
    %add3A_7 = arith.addi %add3A, %iota3A : vector<128x48x128xi32>
    %reshape3A_8 = vector.shape_cast %add3A_7 : vector<128x48x128xi32> to vector<128x6144xi32>
    %iota3A_9 = tpu.iota {dimensions = array<i32: 1>} : vector<128x32xi32>
    %broadcast_in_dim3A = arith.constant 0 : i32
    %broadcast_in_dim3A_10 = vector.broadcast %broadcast_in_dim3A : i32 to vector<128x32xi32>
    %reduce_max3A = arith.constant dense<0xFF800000> : vector<128xf32>
    %reduce_max3A_11 = vector.multi_reduction <maximumf>, %get3A_1, %reduce_max3A [1] : vector<128x6144xf32> to vector<128xf32>
    %broadcast_in_dim3A_12 = vector.shape_cast %reduce_max3A_11 : vector<128xf32> to vector<128x1xf32>
    %eq3A = vector.broadcast %broadcast_in_dim3A_12 : vector<128x1xf32> to vector<128x6144xf32>
    %eq3A_13 = arith.cmpf oeq, %get3A_1, %eq3A : vector<128x6144xf32>
    %jit3A = arith.constant 2147483647 : i32
    %broadcast_in_dim3A_14 = vector.broadcast %jit3A : i32 to vector<128x6144xi32>
    %select_n3A = arith.select %eq3A_13, %reshape3A_8, %broadcast_in_dim3A_14 : vector<128x6144xi1>, vector<128x6144xi32>
    %reduce_min3A = arith.constant dense<2147483647> : vector<128xi32>
    %reduce_min3A_15 = vector.multi_reduction <minsi>, %select_n3A, %reduce_min3A [1] : vector<128x6144xi32> to vector<128xi32>
    %broadcast_in_dim3A_16 = vector.shape_cast %reduce_min3A_15 : vector<128xi32> to vector<128x1xi32>
    %eq3A_17 = arith.constant 0 : i32
    %eq3A_18 = vector.broadcast %eq3A_17 : i32 to vector<128x32xi32>
    %eq3A_19 = arith.cmpi eq, %iota3A_9, %eq3A_18 : vector<128x32xi32>
    %broadcast_in_dim3A_20 = vector.shape_cast %broadcast_in_dim3A_16 : vector<128x1xi32> to vector<128x1xi32>
    %broadcast_in_dim3A_21 = vector.broadcast %broadcast_in_dim3A_20 : vector<128x1xi32> to vector<128x32xi32>
    %select_n3A_22 = arith.select %eq3A_19, %broadcast_in_dim3A_21, %broadcast_in_dim3A_10 : vector<128x32xi1>, vector<128x32xi32>
    %eq3A_23 = vector.broadcast %broadcast_in_dim3A_16 : vector<128x1xi32> to vector<128x6144xi32>
    %eq3A_24 = arith.cmpi eq, %reshape3A_8, %eq3A_23 : vector<128x6144xi32>
    %jit3A_25 = arith.constant 0xFF800000 : f32
    %broadcast_in_dim3A_26 = vector.broadcast %jit3A_25 : f32 to vector<128x6144xf32>
    %select_n3A_27 = arith.select %eq3A_24, %broadcast_in_dim3A_26, %get3A_1 : vector<128x6144xi1>, vector<128x6144xf32>
    %reduce_max3A_28 = arith.constant dense<0xFF800000> : vector<128xf32>
    %reduce_max3A_29 = vector.multi_reduction <maximumf>, %select_n3A_27, %reduce_max3A_28 [1] : vector<128x6144xf32> to vector<128xf32>
    %broadcast_in_dim3A_30 = vector.shape_cast %reduce_max3A_29 : vector<128xf32> to vector<128x1xf32>
    %eq3A_31 = vector.broadcast %broadcast_in_dim3A_30 : vector<128x1xf32> to vector<128x6144xf32>
    %eq3A_32 = arith.cmpf oeq, %select_n3A_27, %eq3A_31 : vector<128x6144xf32>
    %jit3A_33 = arith.constant 2147483647 : i32
    %broadcast_in_dim3A_34 = vector.broadcast %jit3A_33 : i32 to vector<128x6144xi32>
    %select_n3A_35 = arith.select %eq3A_32, %reshape3A_8, %broadcast_in_dim3A_34 : vector<128x6144xi1>, vector<128x6144xi32>
    %reduce_min3A_36 = arith.constant dense<2147483647> : vector<128xi32>
    %reduce_min3A_37 = vector.multi_reduction <minsi>, %select_n3A_35, %reduce_min3A_36 [1] : vector<128x6144xi32> to vector<128xi32>
    %broadcast_in_dim3A_38 = vector.shape_cast %reduce_min3A_37 : vector<128xi32> to vector<128x1xi32>
    %eq3A_39 = arith.constant 1 : i32
    %eq3A_40 = vector.broadcast %eq3A_39 : i32 to vector<128x32xi32>
    %eq3A_41 = arith.cmpi eq, %iota3A_9, %eq3A_40 : vector<128x32xi32>
    %broadcast_in_dim3A_42 = vector.shape_cast %broadcast_in_dim3A_38 : vector<128x1xi32> to vector<128x1xi32>
    %broadcast_in_dim3A_43 = vector.broadcast %broadcast_in_dim3A_42 : vector<128x1xi32> to vector<128x32xi32>
    %select_n3A_44 = arith.select %eq3A_41, %broadcast_in_dim3A_43, %select_n3A_22 : vector<128x32xi1>, vector<128x32xi32>
    %eq3A_45 = vector.broadcast %broadcast_in_dim3A_38 : vector<128x1xi32> to vector<128x6144xi32>
    %eq3A_46 = arith.cmpi eq, %reshape3A_8, %eq3A_45 : vector<128x6144xi32>
    %jit3A_47 = arith.constant 0xFF800000 : f32
    %broadcast_in_dim3A_48 = vector.broadcast %jit3A_47 : f32 to vector<128x6144xf32>
    %select_n3A_49 = arith.select %eq3A_46, %broadcast_in_dim3A_48, %select_n3A_27 : vector<128x6144xi1>, vector<128x6144xf32>
    %reduce_max3A_50 = arith.constant dense<0xFF800000> : vector<128xf32>
    %reduce_max3A_51 = vector.multi_reduction <maximumf>, %select_n3A_49, %reduce_max3A_50 [1] : vector<128x6144xf32> to vector<128xf32>
    %broadcast_in_dim3A_52 = vector.shape_cast %reduce_max3A_51 : vector<128xf32> to vector<128x1xf32>
    %eq3A_53 = vector.broadcast %broadcast_in_dim3A_52 : vector<128x1xf32> to vector<128x6144xf32>
    %eq3A_54 = arith.cmpf oeq, %select_n3A_49, %eq3A_53 : vector<128x6144xf32>
    %jit3A_55 = arith.constant 2147483647 : i32
    %broadcast_in_dim3A_56 = vector.broadcast %jit3A_55 : i32 to vector<128x6144xi32>
    %select_n3A_57 = arith.select %eq3A_54, %reshape3A_8, %broadcast_in_dim3A_56 : vector<128x6144xi1>, vector<128x6144xi32>
    %reduce_min3A_58 = arith.constant dense<2147483647> : vector<128xi32>
    %reduce_min3A_59 = vector.multi_reduction <minsi>, %select_n3A_57, %reduce_min3A_58 [1] : vector<128x6144xi32> to vector<128xi32>
    %broadcast_in_dim3A_60 = vector.shape_cast %reduce_min3A_59 : vector<128xi32> to vector<128x1xi32>
    %eq3A_61 = arith.constant 2 : i32
    %eq3A_62 = vector.broadcast %eq3A_61 : i32 to vector<128x32xi32>
    %eq3A_63 = arith.cmpi eq, %iota3A_9, %eq3A_62 : vector<128x32xi32>
    %broadcast_in_dim3A_64 = vector.shape_cast %broadcast_in_dim3A_60 : vector<128x1xi32> to vector<128x1xi32>
    %broadcast_in_dim3A_65 = vector.broadcast %broadcast_in_dim3A_64 : vector<128x1xi32> to vector<128x32xi32>
    %select_n3A_66 = arith.select %eq3A_63, %broadcast_in_dim3A_65, %select_n3A_44 : vector<128x32xi1>, vector<128x32xi32>
    %eq3A_67 = vector.broadcast %broadcast_in_dim3A_60 : vector<128x1xi32> to vector<128x6144xi32>
    %eq3A_68 = arith.cmpi eq, %reshape3A_8, %eq3A_67 : vector<128x6144xi32>
    %jit3A_69 = arith.constant 0xFF800000 : f32
    %broadcast_in_dim3A_70 = vector.broadcast %jit3A_69 : f32 to vector<128x6144xf32>
    %select_n3A_71 = arith.select %eq3A_68, %broadcast_in_dim3A_70, %select_n3A_49 : vector<128x6144xi1>, vector<128x6144xf32>
    %reduce_max3A_72 = arith.constant dense<0xFF800000> : vector<128xf32>
    %reduce_max3A_73 = vector.multi_reduction <maximumf>, %select_n3A_71, %reduce_max3A_72 [1] : vector<128x6144xf32> to vector<128xf32>
    %broadcast_in_dim3A_74 = vector.shape_cast %reduce_max3A_73 : vector<128xf32> to vector<128x1xf32>
    %eq3A_75 = vector.broadcast %broadcast_in_dim3A_74 : vector<128x1xf32> to vector<128x6144xf32>
    %eq3A_76 = arith.cmpf oeq, %select_n3A_71, %eq3A_75 : vector<128x6144xf32>
    %jit3A_77 = arith.constant 2147483647 : i32
    %broadcast_in_dim3A_78 = vector.broadcast %jit3A_77 : i32 to vector<128x6144xi32>
    %select_n3A_79 = arith.select %eq3A_76, %reshape3A_8, %broadcast_in_dim3A_78 : vector<128x6144xi1>, vector<128x6144xi32>
    %reduce_min3A_80 = arith.constant dense<2147483647> : vector<128xi32>
    %reduce_min3A_81 = vector.multi_reduction <minsi>, %select_n3A_79, %reduce_min3A_80 [1] : vector<128x6144xi32> to vector<128xi32>
    %broadcast_in_dim3A_82 = vector.shape_cast %reduce_min3A_81 : vector<128xi32> to vector<128x1xi32>
    %eq3A_83 = arith.constant 3 : i32
    %eq3A_84 = vector.broadcast %eq3A_83 : i32 to vector<128x32xi32>
    %eq3A_85 = arith.cmpi eq, %iota3A_9, %eq3A_84 : vector<128x32xi32>
    %broadcast_in_dim3A_86 = vector.shape_cast %broadcast_in_dim3A_82 : vector<128x1xi32> to vector<128x1xi32>
    %broadcast_in_dim3A_87 = vector.broadcast %broadcast_in_dim3A_86 : vector<128x1xi32> to vector<128x32xi32>
    %select_n3A_88 = arith.select %eq3A_85, %broadcast_in_dim3A_87, %select_n3A_66 : vector<128x32xi1>, vector<128x32xi32>
    %eq3A_89 = vector.broadcast %broadcast_in_dim3A_82 : vector<128x1xi32> to vector<128x6144xi32>
    %eq3A_90 = arith.cmpi eq, %reshape3A_8, %eq3A_89 : vector<128x6144xi32>
    %jit3A_91 = arith.constant 0xFF800000 : f32
    %broadcast_in_dim3A_92 = vector.broadcast %jit3A_91 : f32 to vector<128x6144xf32>
    %select_n3A_93 = arith.select %eq3A_90, %broadcast_in_dim3A_92, %select_n3A_71 : vector<128x6144xi1>, vector<128x6144xf32>
    %reduce_max3A_94 = arith.constant dense<0xFF800000> : vector<128xf32>
    %reduce_max3A_95 = vector.multi_reduction <maximumf>, %select_n3A_93, %reduce_max3A_94 [1] : vector<128x6144xf32> to vector<128xf32>
    %broadcast_in_dim3A_96 = vector.shape_cast %reduce_max3A_95 : vector<128xf32> to vector<128x1xf32>
    %eq3A_97 = vector.broadcast %broadcast_in_dim3A_96 : vector<128x1xf32> to vector<128x6144xf32>
    %eq3A_98 = arith.cmpf oeq, %select_n3A_93, %eq3A_97 : vector<128x6144xf32>
    %jit3A_99 = arith.constant 2147483647 : i32
    %broadcast_in_dim3A_100 = vector.broadcast %jit3A_99 : i32 to vector<128x6144xi32>
    %select_n3A_101 = arith.select %eq3A_98, %reshape3A_8, %broadcast_in_dim3A_100 : vector<128x6144xi1>, vector<128x6144xi32>
    %reduce_min3A_102 = arith.constant dense<2147483647> : vector<128xi32>
    %reduce_min3A_103 = vector.multi_reduction <minsi>, %select_n3A_101, %reduce_min3A_102 [1] : vector<128x6144xi32> to vector<128xi32>
    %broadcast_in_dim3A_104 = vector.shape_cast %reduce_min3A_103 : vector<128xi32> to vector<128x1xi32>
    %eq3A_105 = arith.constant 4 : i32
    %eq3A_106 = vector.broadcast %eq3A_105 : i32 to vector<128x32xi32>
    %eq3A_107 = arith.cmpi eq, %iota3A_9, %eq3A_106 : vector<128x32xi32>
    %broadcast_in_dim3A_108 = vector.shape_cast %broadcast_in_dim3A_104 : vector<128x1xi32> to vector<128x1xi32>
    %broadcast_in_dim3A_109 = vector.broadcast %broadcast_in_dim3A_108 : vector<128x1xi32> to vector<128x32xi32>
    %select_n3A_110 = arith.select %eq3A_107, %broadcast_in_dim3A_109, %select_n3A_88 : vector<128x32xi1>, vector<128x32xi32>
    %eq3A_111 = vector.broadcast %broadcast_in_dim3A_104 : vector<128x1xi32> to vector<128x6144xi32>
    %eq3A_112 = arith.cmpi eq, %reshape3A_8, %eq3A_111 : vector<128x6144xi32>
    %jit3A_113 = arith.constant 0xFF800000 : f32
    %broadcast_in_dim3A_114 = vector.broadcast %jit3A_113 : f32 to vector<128x6144xf32>
    %select_n3A_115 = arith.select %eq3A_112, %broadcast_in_dim3A_114, %select_n3A_93 : vector<128x6144xi1>, vector<128x6144xf32>
    %reduce_max3A_116 = arith.constant dense<0xFF800000> : vector<128xf32>
    %reduce_max3A_117 = vector.multi_reduction <maximumf>, %select_n3A_115, %reduce_max3A_116 [1] : vector<128x6144xf32> to vector<128xf32>
    %broadcast_in_dim3A_118 = vector.shape_cast %reduce_max3A_117 : vector<128xf32> to vector<128x1xf32>
    %eq3A_119 = vector.broadcast %broadcast_in_dim3A_118 : vector<128x1xf32> to vector<128x6144xf32>
    %eq3A_120 = arith.cmpf oeq, %select_n3A_115, %eq3A_119 : vector<128x6144xf32>
    %jit3A_121 = arith.constant 2147483647 : i32
    %broadcast_in_dim3A_122 = vector.broadcast %jit3A_121 : i32 to vector<128x6144xi32>
    %select_n3A_123 = arith.select %eq3A_120, %reshape3A_8, %broadcast_in_dim3A_122 : vector<128x6144xi1>, vector<128x6144xi32>
    %reduce_min3A_124 = arith.constant dense<2147483647> : vector<128xi32>
    %reduce_min3A_125 = vector.multi_reduction <minsi>, %select_n3A_123, %reduce_min3A_124 [1] : vector<128x6144xi32> to vector<128xi32>
    %broadcast_in_dim3A_126 = vector.shape_cast %reduce_min3A_125 : vector<128xi32> to vector<128x1xi32>
    %eq3A_127 = arith.constant 5 : i32
    %eq3A_128 = vector.broadcast %eq3A_127 : i32 to vector<128x32xi32>
    %eq3A_129 = arith.cmpi eq, %iota3A_9, %eq3A_128 : vector<128x32xi32>
    %broadcast_in_dim3A_130 = vector.shape_cast %broadcast_in_dim3A_126 : vector<128x1xi32> to vector<128x1xi32>
    %broadcast_in_dim3A_131 = vector.broadcast %broadcast_in_dim3A_130 : vector<128x1xi32> to vector<128x32xi32>
    %select_n3A_132 = arith.select %eq3A_129, %broadcast_in_dim3A_131, %select_n3A_110 : vector<128x32xi1>, vector<128x32xi32>
    %eq3A_133 = vector.broadcast %broadcast_in_dim3A_126 : vector<128x1xi32> to vector<128x6144xi32>
    %eq3A_134 = arith.cmpi eq, %reshape3A_8, %eq3A_133 : vector<128x6144xi32>
    %jit3A_135 = arith.constant 0xFF800000 : f32
    %broadcast_in_dim3A_136 = vector.broadcast %jit3A_135 : f32 to vector<128x6144xf32>
    %select_n3A_137 = arith.select %eq3A_134, %broadcast_in_dim3A_136, %select_n3A_115 : vector<128x6144xi1>, vector<128x6144xf32>
    %reduce_max3A_138 = arith.constant dense<0xFF800000> : vector<128xf32>
    %reduce_max3A_139 = vector.multi_reduction <maximumf>, %select_n3A_137, %reduce_max3A_138 [1] : vector<128x6144xf32> to vector<128xf32>
    %broadcast_in_dim3A_140 = vector.shape_cast %reduce_max3A_139 : vector<128xf32> to vector<128x1xf32>
    %eq3A_141 = vector.broadcast %broadcast_in_dim3A_140 : vector<128x1xf32> to vector<128x6144xf32>
    %eq3A_142 = arith.cmpf oeq, %select_n3A_137, %eq3A_141 : vector<128x6144xf32>
    %jit3A_143 = arith.constant 2147483647 : i32
    %broadcast_in_dim3A_144 = vector.broadcast %jit3A_143 : i32 to vector<128x6144xi32>
    %select_n3A_145 = arith.select %eq3A_142, %reshape3A_8, %broadcast_in_dim3A_144 : vector<128x6144xi1>, vector<128x6144xi32>
    %reduce_min3A_146 = arith.constant dense<2147483647> : vector<128xi32>
    %reduce_min3A_147 = vector.multi_reduction <minsi>, %select_n3A_145, %reduce_min3A_146 [1] : vector<128x6144xi32> to vector<128xi32>
    %broadcast_in_dim3A_148 = vector.shape_cast %reduce_min3A_147 : vector<128xi32> to vector<128x1xi32>
    %eq3A_149 = arith.constant 6 : i32
    %eq3A_150 = vector.broadcast %eq3A_149 : i32 to vector<128x32xi32>
    %eq3A_151 = arith.cmpi eq, %iota3A_9, %eq3A_150 : vector<128x32xi32>
    %broadcast_in_dim3A_152 = vector.shape_cast %broadcast_in_dim3A_148 : vector<128x1xi32> to vector<128x1xi32>
    %broadcast_in_dim3A_153 = vector.broadcast %broadcast_in_dim3A_152 : vector<128x1xi32> to vector<128x32xi32>
    %select_n3A_154 = arith.select %eq3A_151, %broadcast_in_dim3A_153, %select_n3A_132 : vector<128x32xi1>, vector<128x32xi32>
    %eq3A_155 = vector.broadcast %broadcast_in_dim3A_148 : vector<128x1xi32> to vector<128x6144xi32>
    %eq3A_156 = arith.cmpi eq, %reshape3A_8, %eq3A_155 : vector<128x6144xi32>
    %jit3A_157 = arith.constant 0xFF800000 : f32
    %broadcast_in_dim3A_158 = vector.broadcast %jit3A_157 : f32 to vector<128x6144xf32>
    %select_n3A_159 = arith.select %eq3A_156, %broadcast_in_dim3A_158, %select_n3A_137 : vector<128x6144xi1>, vector<128x6144xf32>
    %reduce_max3A_160 = arith.constant dense<0xFF800000> : vector<128xf32>
    %reduce_max3A_161 = vector.multi_reduction <maximumf>, %select_n3A_159, %reduce_max3A_160 [1] : vector<128x6144xf32> to vector<128xf32>
    %broadcast_in_dim3A_162 = vector.shape_cast %reduce_max3A_161 : vector<128xf32> to vector<128x1xf32>
    %eq3A_163 = vector.broadcast %broadcast_in_dim3A_162 : vector<128x1xf32> to vector<128x6144xf32>
    %eq3A_164 = arith.cmpf oeq, %select_n3A_159, %eq3A_163 : vector<128x6144xf32>
    %jit3A_165 = arith.constant 2147483647 : i32
    %broadcast_in_dim3A_166 = vector.broadcast %jit3A_165 : i32 to vector<128x6144xi32>
    %select_n3A_167 = arith.select %eq3A_164, %reshape3A_8, %broadcast_in_dim3A_166 : vector<128x6144xi1>, vector<128x6144xi32>
    %reduce_min3A_168 = arith.constant dense<2147483647> : vector<128xi32>
    %reduce_min3A_169 = vector.multi_reduction <minsi>, %select_n3A_167, %reduce_min3A_168 [1] : vector<128x6144xi32> to vector<128xi32>
    %broadcast_in_dim3A_170 = vector.shape_cast %reduce_min3A_169 : vector<128xi32> to vector<128x1xi32>
    %eq3A_171 = arith.constant 7 : i32
    %eq3A_172 = vector.broadcast %eq3A_171 : i32 to vector<128x32xi32>
    %eq3A_173 = arith.cmpi eq, %iota3A_9, %eq3A_172 : vector<128x32xi32>
    %broadcast_in_dim3A_174 = vector.shape_cast %broadcast_in_dim3A_170 : vector<128x1xi32> to vector<128x1xi32>
    %broadcast_in_dim3A_175 = vector.broadcast %broadcast_in_dim3A_174 : vector<128x1xi32> to vector<128x32xi32>
    %select_n3A_176 = arith.select %eq3A_173, %broadcast_in_dim3A_175, %select_n3A_154 : vector<128x32xi1>, vector<128x32xi32>
    %eq3A_177 = vector.broadcast %broadcast_in_dim3A_170 : vector<128x1xi32> to vector<128x6144xi32>
    %eq3A_178 = arith.cmpi eq, %reshape3A_8, %eq3A_177 : vector<128x6144xi32>
    %jit3A_179 = arith.constant 0xFF800000 : f32
    %broadcast_in_dim3A_180 = vector.broadcast %jit3A_179 : f32 to vector<128x6144xf32>
    %select_n3A_181 = arith.select %eq3A_178, %broadcast_in_dim3A_180, %select_n3A_159 : vector<128x6144xi1>, vector<128x6144xf32>
    %reduce_max3A_182 = arith.constant dense<0xFF800000> : vector<128xf32>
    %reduce_max3A_183 = vector.multi_reduction <maximumf>, %select_n3A_181, %reduce_max3A_182 [1] : vector<128x6144xf32> to vector<128xf32>
    %broadcast_in_dim3A_184 = vector.shape_cast %reduce_max3A_183 : vector<128xf32> to vector<128x1xf32>
    %eq3A_185 = vector.broadcast %broadcast_in_dim3A_184 : vector<128x1xf32> to vector<128x6144xf32>
    %eq3A_186 = arith.cmpf oeq, %select_n3A_181, %eq3A_185 : vector<128x6144xf32>
    %jit3A_187 = arith.constant 2147483647 : i32
    %broadcast_in_dim3A_188 = vector.broadcast %jit3A_187 : i32 to vector<128x6144xi32>
    %select_n3A_189 = arith.select %eq3A_186, %reshape3A_8, %broadcast_in_dim3A_188 : vector<128x6144xi1>, vector<128x6144xi32>
    %reduce_min3A_190 = arith.constant dense<2147483647> : vector<128xi32>
    %reduce_min3A_191 = vector.multi_reduction <minsi>, %select_n3A_189, %reduce_min3A_190 [1] : vector<128x6144xi32> to vector<128xi32>
    %broadcast_in_dim3A_192 = vector.shape_cast %reduce_min3A_191 : vector<128xi32> to vector<128x1xi32>
    %eq3A_193 = arith.constant 8 : i32
    %eq3A_194 = vector.broadcast %eq3A_193 : i32 to vector<128x32xi32>
    %eq3A_195 = arith.cmpi eq, %iota3A_9, %eq3A_194 : vector<128x32xi32>
    %broadcast_in_dim3A_196 = vector.shape_cast %broadcast_in_dim3A_192 : vector<128x1xi32> to vector<128x1xi32>
    %broadcast_in_dim3A_197 = vector.broadcast %broadcast_in_dim3A_196 : vector<128x1xi32> to vector<128x32xi32>
    %select_n3A_198 = arith.select %eq3A_195, %broadcast_in_dim3A_197, %select_n3A_176 : vector<128x32xi1>, vector<128x32xi32>
    %eq3A_199 = vector.broadcast %broadcast_in_dim3A_192 : vector<128x1xi32> to vector<128x6144xi32>
    %eq3A_200 = arith.cmpi eq, %reshape3A_8, %eq3A_199 : vector<128x6144xi32>
    %jit3A_201 = arith.constant 0xFF800000 : f32
    %broadcast_in_dim3A_202 = vector.broadcast %jit3A_201 : f32 to vector<128x6144xf32>
    %select_n3A_203 = arith.select %eq3A_200, %broadcast_in_dim3A_202, %select_n3A_181 : vector<128x6144xi1>, vector<128x6144xf32>
    %reduce_max3A_204 = arith.constant dense<0xFF800000> : vector<128xf32>
    %reduce_max3A_205 = vector.multi_reduction <maximumf>, %select_n3A_203, %reduce_max3A_204 [1] : vector<128x6144xf32> to vector<128xf32>
    %broadcast_in_dim3A_206 = vector.shape_cast %reduce_max3A_205 : vector<128xf32> to vector<128x1xf32>
    %eq3A_207 = vector.broadcast %broadcast_in_dim3A_206 : vector<128x1xf32> to vector<128x6144xf32>
    %eq3A_208 = arith.cmpf oeq, %select_n3A_203, %eq3A_207 : vector<128x6144xf32>
    %jit3A_209 = arith.constant 2147483647 : i32
    %broadcast_in_dim3A_210 = vector.broadcast %jit3A_209 : i32 to vector<128x6144xi32>
    %select_n3A_211 = arith.select %eq3A_208, %reshape3A_8, %broadcast_in_dim3A_210 : vector<128x6144xi1>, vector<128x6144xi32>
    %reduce_min3A_212 = arith.constant dense<2147483647> : vector<128xi32>
    %reduce_min3A_213 = vector.multi_reduction <minsi>, %select_n3A_211, %reduce_min3A_212 [1] : vector<128x6144xi32> to vector<128xi32>
    %broadcast_in_dim3A_214 = vector.shape_cast %reduce_min3A_213 : vector<128xi32> to vector<128x1xi32>
    %eq3A_215 = arith.constant 9 : i32
    %eq3A_216 = vector.broadcast %eq3A_215 : i32 to vector<128x32xi32>
    %eq3A_217 = arith.cmpi eq, %iota3A_9, %eq3A_216 : vector<128x32xi32>
    %broadcast_in_dim3A_218 = vector.shape_cast %broadcast_in_dim3A_214 : vector<128x1xi32> to vector<128x1xi32>
    %broadcast_in_dim3A_219 = vector.broadcast %broadcast_in_dim3A_218 : vector<128x1xi32> to vector<128x32xi32>
    %select_n3A_220 = arith.select %eq3A_217, %broadcast_in_dim3A_219, %select_n3A_198 : vector<128x32xi1>, vector<128x32xi32>
    %eq3A_221 = vector.broadcast %broadcast_in_dim3A_214 : vector<128x1xi32> to vector<128x6144xi32>
    %eq3A_222 = arith.cmpi eq, %reshape3A_8, %eq3A_221 : vector<128x6144xi32>
    %jit3A_223 = arith.constant 0xFF800000 : f32
    %broadcast_in_dim3A_224 = vector.broadcast %jit3A_223 : f32 to vector<128x6144xf32>
    %select_n3A_225 = arith.select %eq3A_222, %broadcast_in_dim3A_224, %select_n3A_203 : vector<128x6144xi1>, vector<128x6144xf32>
    %reduce_max3A_226 = arith.constant dense<0xFF800000> : vector<128xf32>
    %reduce_max3A_227 = vector.multi_reduction <maximumf>, %select_n3A_225, %reduce_max3A_226 [1] : vector<128x6144xf32> to vector<128xf32>
    %broadcast_in_dim3A_228 = vector.shape_cast %reduce_max3A_227 : vector<128xf32> to vector<128x1xf32>
    %eq3A_229 = vector.broadcast %broadcast_in_dim3A_228 : vector<128x1xf32> to vector<128x6144xf32>
    %eq3A_230 = arith.cmpf oeq, %select_n3A_225, %eq3A_229 : vector<128x6144xf32>
    %jit3A_231 = arith.constant 2147483647 : i32
    %broadcast_in_dim3A_232 = vector.broadcast %jit3A_231 : i32 to vector<128x6144xi32>
    %select_n3A_233 = arith.select %eq3A_230, %reshape3A_8, %broadcast_in_dim3A_232 : vector<128x6144xi1>, vector<128x6144xi32>
    %reduce_min3A_234 = arith.constant dense<2147483647> : vector<128xi32>
    %reduce_min3A_235 = vector.multi_reduction <minsi>, %select_n3A_233, %reduce_min3A_234 [1] : vector<128x6144xi32> to vector<128xi32>
    %broadcast_in_dim3A_236 = vector.shape_cast %reduce_min3A_235 : vector<128xi32> to vector<128x1xi32>
    %eq3A_237 = arith.constant 10 : i32
    %eq3A_238 = vector.broadcast %eq3A_237 : i32 to vector<128x32xi32>
    %eq3A_239 = arith.cmpi eq, %iota3A_9, %eq3A_238 : vector<128x32xi32>
    %broadcast_in_dim3A_240 = vector.shape_cast %broadcast_in_dim3A_236 : vector<128x1xi32> to vector<128x1xi32>
    %broadcast_in_dim3A_241 = vector.broadcast %broadcast_in_dim3A_240 : vector<128x1xi32> to vector<128x32xi32>
    %select_n3A_242 = arith.select %eq3A_239, %broadcast_in_dim3A_241, %select_n3A_220 : vector<128x32xi1>, vector<128x32xi32>
    %eq3A_243 = vector.broadcast %broadcast_in_dim3A_236 : vector<128x1xi32> to vector<128x6144xi32>
    %eq3A_244 = arith.cmpi eq, %reshape3A_8, %eq3A_243 : vector<128x6144xi32>
    %jit3A_245 = arith.constant 0xFF800000 : f32
    %broadcast_in_dim3A_246 = vector.broadcast %jit3A_245 : f32 to vector<128x6144xf32>
    %select_n3A_247 = arith.select %eq3A_244, %broadcast_in_dim3A_246, %select_n3A_225 : vector<128x6144xi1>, vector<128x6144xf32>
    %reduce_max3A_248 = arith.constant dense<0xFF800000> : vector<128xf32>
    %reduce_max3A_249 = vector.multi_reduction <maximumf>, %select_n3A_247, %reduce_max3A_248 [1] : vector<128x6144xf32> to vector<128xf32>
    %broadcast_in_dim3A_250 = vector.shape_cast %reduce_max3A_249 : vector<128xf32> to vector<128x1xf32>
    %eq3A_251 = vector.broadcast %broadcast_in_dim3A_250 : vector<128x1xf32> to vector<128x6144xf32>
    %eq3A_252 = arith.cmpf oeq, %select_n3A_247, %eq3A_251 : vector<128x6144xf32>
    %jit3A_253 = arith.constant 2147483647 : i32
    %broadcast_in_dim3A_254 = vector.broadcast %jit3A_253 : i32 to vector<128x6144xi32>
    %select_n3A_255 = arith.select %eq3A_252, %reshape3A_8, %broadcast_in_dim3A_254 : vector<128x6144xi1>, vector<128x6144xi32>
    %reduce_min3A_256 = arith.constant dense<2147483647> : vector<128xi32>
    %reduce_min3A_257 = vector.multi_reduction <minsi>, %select_n3A_255, %reduce_min3A_256 [1] : vector<128x6144xi32> to vector<128xi32>
    %broadcast_in_dim3A_258 = vector.shape_cast %reduce_min3A_257 : vector<128xi32> to vector<128x1xi32>
    %eq3A_259 = arith.constant 11 : i32
    %eq3A_260 = vector.broadcast %eq3A_259 : i32 to vector<128x32xi32>
    %eq3A_261 = arith.cmpi eq, %iota3A_9, %eq3A_260 : vector<128x32xi32>
    %broadcast_in_dim3A_262 = vector.shape_cast %broadcast_in_dim3A_258 : vector<128x1xi32> to vector<128x1xi32>
    %broadcast_in_dim3A_263 = vector.broadcast %broadcast_in_dim3A_262 : vector<128x1xi32> to vector<128x32xi32>
    %select_n3A_264 = arith.select %eq3A_261, %broadcast_in_dim3A_263, %select_n3A_242 : vector<128x32xi1>, vector<128x32xi32>
    %eq3A_265 = vector.broadcast %broadcast_in_dim3A_258 : vector<128x1xi32> to vector<128x6144xi32>
    %eq3A_266 = arith.cmpi eq, %reshape3A_8, %eq3A_265 : vector<128x6144xi32>
    %jit3A_267 = arith.constant 0xFF800000 : f32
    %broadcast_in_dim3A_268 = vector.broadcast %jit3A_267 : f32 to vector<128x6144xf32>
    %select_n3A_269 = arith.select %eq3A_266, %broadcast_in_dim3A_268, %select_n3A_247 : vector<128x6144xi1>, vector<128x6144xf32>
    %reduce_max3A_270 = arith.constant dense<0xFF800000> : vector<128xf32>
    %reduce_max3A_271 = vector.multi_reduction <maximumf>, %select_n3A_269, %reduce_max3A_270 [1] : vector<128x6144xf32> to vector<128xf32>
    %broadcast_in_dim3A_272 = vector.shape_cast %reduce_max3A_271 : vector<128xf32> to vector<128x1xf32>
    %eq3A_273 = vector.broadcast %broadcast_in_dim3A_272 : vector<128x1xf32> to vector<128x6144xf32>
    %eq3A_274 = arith.cmpf oeq, %select_n3A_269, %eq3A_273 : vector<128x6144xf32>
    %jit3A_275 = arith.constant 2147483647 : i32
    %broadcast_in_dim3A_276 = vector.broadcast %jit3A_275 : i32 to vector<128x6144xi32>
    %select_n3A_277 = arith.select %eq3A_274, %reshape3A_8, %broadcast_in_dim3A_276 : vector<128x6144xi1>, vector<128x6144xi32>
    %reduce_min3A_278 = arith.constant dense<2147483647> : vector<128xi32>
    %reduce_min3A_279 = vector.multi_reduction <minsi>, %select_n3A_277, %reduce_min3A_278 [1] : vector<128x6144xi32> to vector<128xi32>
    %broadcast_in_dim3A_280 = vector.shape_cast %reduce_min3A_279 : vector<128xi32> to vector<128x1xi32>
    %eq3A_281 = arith.constant 12 : i32
    %eq3A_282 = vector.broadcast %eq3A_281 : i32 to vector<128x32xi32>
    %eq3A_283 = arith.cmpi eq, %iota3A_9, %eq3A_282 : vector<128x32xi32>
    %broadcast_in_dim3A_284 = vector.shape_cast %broadcast_in_dim3A_280 : vector<128x1xi32> to vector<128x1xi32>
    %broadcast_in_dim3A_285 = vector.broadcast %broadcast_in_dim3A_284 : vector<128x1xi32> to vector<128x32xi32>
    %select_n3A_286 = arith.select %eq3A_283, %broadcast_in_dim3A_285, %select_n3A_264 : vector<128x32xi1>, vector<128x32xi32>
    %eq3A_287 = vector.broadcast %broadcast_in_dim3A_280 : vector<128x1xi32> to vector<128x6144xi32>
    %eq3A_288 = arith.cmpi eq, %reshape3A_8, %eq3A_287 : vector<128x6144xi32>
    %jit3A_289 = arith.constant 0xFF800000 : f32
    %broadcast_in_dim3A_290 = vector.broadcast %jit3A_289 : f32 to vector<128x6144xf32>
    %select_n3A_291 = arith.select %eq3A_288, %broadcast_in_dim3A_290, %select_n3A_269 : vector<128x6144xi1>, vector<128x6144xf32>
    %reduce_max3A_292 = arith.constant dense<0xFF800000> : vector<128xf32>
    %reduce_max3A_293 = vector.multi_reduction <maximumf>, %select_n3A_291, %reduce_max3A_292 [1] : vector<128x6144xf32> to vector<128xf32>
    %broadcast_in_dim3A_294 = vector.shape_cast %reduce_max3A_293 : vector<128xf32> to vector<128x1xf32>
    %eq3A_295 = vector.broadcast %broadcast_in_dim3A_294 : vector<128x1xf32> to vector<128x6144xf32>
    %eq3A_296 = arith.cmpf oeq, %select_n3A_291, %eq3A_295 : vector<128x6144xf32>
    %jit3A_297 = arith.constant 2147483647 : i32
    %broadcast_in_dim3A_298 = vector.broadcast %jit3A_297 : i32 to vector<128x6144xi32>
    %select_n3A_299 = arith.select %eq3A_296, %reshape3A_8, %broadcast_in_dim3A_298 : vector<128x6144xi1>, vector<128x6144xi32>
    %reduce_min3A_300 = arith.constant dense<2147483647> : vector<128xi32>
    %reduce_min3A_301 = vector.multi_reduction <minsi>, %select_n3A_299, %reduce_min3A_300 [1] : vector<128x6144xi32> to vector<128xi32>
    %broadcast_in_dim3A_302 = vector.shape_cast %reduce_min3A_301 : vector<128xi32> to vector<128x1xi32>
    %eq3A_303 = arith.constant 13 : i32
    %eq3A_304 = vector.broadcast %eq3A_303 : i32 to vector<128x32xi32>
    %eq3A_305 = arith.cmpi eq, %iota3A_9, %eq3A_304 : vector<128x32xi32>
    %broadcast_in_dim3A_306 = vector.shape_cast %broadcast_in_dim3A_302 : vector<128x1xi32> to vector<128x1xi32>
    %broadcast_in_dim3A_307 = vector.broadcast %broadcast_in_dim3A_306 : vector<128x1xi32> to vector<128x32xi32>
    %select_n3A_308 = arith.select %eq3A_305, %broadcast_in_dim3A_307, %select_n3A_286 : vector<128x32xi1>, vector<128x32xi32>
    %eq3A_309 = vector.broadcast %broadcast_in_dim3A_302 : vector<128x1xi32> to vector<128x6144xi32>
    %eq3A_310 = arith.cmpi eq, %reshape3A_8, %eq3A_309 : vector<128x6144xi32>
    %jit3A_311 = arith.constant 0xFF800000 : f32
    %broadcast_in_dim3A_312 = vector.broadcast %jit3A_311 : f32 to vector<128x6144xf32>
    %select_n3A_313 = arith.select %eq3A_310, %broadcast_in_dim3A_312, %select_n3A_291 : vector<128x6144xi1>, vector<128x6144xf32>
    %reduce_max3A_314 = arith.constant dense<0xFF800000> : vector<128xf32>
    %reduce_max3A_315 = vector.multi_reduction <maximumf>, %select_n3A_313, %reduce_max3A_314 [1] : vector<128x6144xf32> to vector<128xf32>
    %broadcast_in_dim3A_316 = vector.shape_cast %reduce_max3A_315 : vector<128xf32> to vector<128x1xf32>
    %eq3A_317 = vector.broadcast %broadcast_in_dim3A_316 : vector<128x1xf32> to vector<128x6144xf32>
    %eq3A_318 = arith.cmpf oeq, %select_n3A_313, %eq3A_317 : vector<128x6144xf32>
    %jit3A_319 = arith.constant 2147483647 : i32
    %broadcast_in_dim3A_320 = vector.broadcast %jit3A_319 : i32 to vector<128x6144xi32>
    %select_n3A_321 = arith.select %eq3A_318, %reshape3A_8, %broadcast_in_dim3A_320 : vector<128x6144xi1>, vector<128x6144xi32>
    %reduce_min3A_322 = arith.constant dense<2147483647> : vector<128xi32>
    %reduce_min3A_323 = vector.multi_reduction <minsi>, %select_n3A_321, %reduce_min3A_322 [1] : vector<128x6144xi32> to vector<128xi32>
    %broadcast_in_dim3A_324 = vector.shape_cast %reduce_min3A_323 : vector<128xi32> to vector<128x1xi32>
    %eq3A_325 = arith.constant 14 : i32
    %eq3A_326 = vector.broadcast %eq3A_325 : i32 to vector<128x32xi32>
    %eq3A_327 = arith.cmpi eq, %iota3A_9, %eq3A_326 : vector<128x32xi32>
    %broadcast_in_dim3A_328 = vector.shape_cast %broadcast_in_dim3A_324 : vector<128x1xi32> to vector<128x1xi32>
    %broadcast_in_dim3A_329 = vector.broadcast %broadcast_in_dim3A_328 : vector<128x1xi32> to vector<128x32xi32>
    %select_n3A_330 = arith.select %eq3A_327, %broadcast_in_dim3A_329, %select_n3A_308 : vector<128x32xi1>, vector<128x32xi32>
    %eq3A_331 = vector.broadcast %broadcast_in_dim3A_324 : vector<128x1xi32> to vector<128x6144xi32>
    %eq3A_332 = arith.cmpi eq, %reshape3A_8, %eq3A_331 : vector<128x6144xi32>
    %jit3A_333 = arith.constant 0xFF800000 : f32
    %broadcast_in_dim3A_334 = vector.broadcast %jit3A_333 : f32 to vector<128x6144xf32>
    %select_n3A_335 = arith.select %eq3A_332, %broadcast_in_dim3A_334, %select_n3A_313 : vector<128x6144xi1>, vector<128x6144xf32>
    %reduce_max3A_336 = arith.constant dense<0xFF800000> : vector<128xf32>
    %reduce_max3A_337 = vector.multi_reduction <maximumf>, %select_n3A_335, %reduce_max3A_336 [1] : vector<128x6144xf32> to vector<128xf32>
    %broadcast_in_dim3A_338 = vector.shape_cast %reduce_max3A_337 : vector<128xf32> to vector<128x1xf32>
    %eq3A_339 = vector.broadcast %broadcast_in_dim3A_338 : vector<128x1xf32> to vector<128x6144xf32>
    %eq3A_340 = arith.cmpf oeq, %select_n3A_335, %eq3A_339 : vector<128x6144xf32>
    %jit3A_341 = arith.constant 2147483647 : i32
    %broadcast_in_dim3A_342 = vector.broadcast %jit3A_341 : i32 to vector<128x6144xi32>
    %select_n3A_343 = arith.select %eq3A_340, %reshape3A_8, %broadcast_in_dim3A_342 : vector<128x6144xi1>, vector<128x6144xi32>
    %reduce_min3A_344 = arith.constant dense<2147483647> : vector<128xi32>
    %reduce_min3A_345 = vector.multi_reduction <minsi>, %select_n3A_343, %reduce_min3A_344 [1] : vector<128x6144xi32> to vector<128xi32>
    %broadcast_in_dim3A_346 = vector.shape_cast %reduce_min3A_345 : vector<128xi32> to vector<128x1xi32>
    %eq3A_347 = arith.constant 15 : i32
    %eq3A_348 = vector.broadcast %eq3A_347 : i32 to vector<128x32xi32>
    %eq3A_349 = arith.cmpi eq, %iota3A_9, %eq3A_348 : vector<128x32xi32>
    %broadcast_in_dim3A_350 = vector.shape_cast %broadcast_in_dim3A_346 : vector<128x1xi32> to vector<128x1xi32>
    %broadcast_in_dim3A_351 = vector.broadcast %broadcast_in_dim3A_350 : vector<128x1xi32> to vector<128x32xi32>
    %select_n3A_352 = arith.select %eq3A_349, %broadcast_in_dim3A_351, %select_n3A_330 : vector<128x32xi1>, vector<128x32xi32>
    %eq3A_353 = vector.broadcast %broadcast_in_dim3A_346 : vector<128x1xi32> to vector<128x6144xi32>
    %eq3A_354 = arith.cmpi eq, %reshape3A_8, %eq3A_353 : vector<128x6144xi32>
    %jit3A_355 = arith.constant 0xFF800000 : f32
    %broadcast_in_dim3A_356 = vector.broadcast %jit3A_355 : f32 to vector<128x6144xf32>
    %select_n3A_357 = arith.select %eq3A_354, %broadcast_in_dim3A_356, %select_n3A_335 : vector<128x6144xi1>, vector<128x6144xf32>
    %reduce_max3A_358 = arith.constant dense<0xFF800000> : vector<128xf32>
    %reduce_max3A_359 = vector.multi_reduction <maximumf>, %select_n3A_357, %reduce_max3A_358 [1] : vector<128x6144xf32> to vector<128xf32>
    %broadcast_in_dim3A_360 = vector.shape_cast %reduce_max3A_359 : vector<128xf32> to vector<128x1xf32>
    %eq3A_361 = vector.broadcast %broadcast_in_dim3A_360 : vector<128x1xf32> to vector<128x6144xf32>
    %eq3A_362 = arith.cmpf oeq, %select_n3A_357, %eq3A_361 : vector<128x6144xf32>
    %jit3A_363 = arith.constant 2147483647 : i32
    %broadcast_in_dim3A_364 = vector.broadcast %jit3A_363 : i32 to vector<128x6144xi32>
    %select_n3A_365 = arith.select %eq3A_362, %reshape3A_8, %broadcast_in_dim3A_364 : vector<128x6144xi1>, vector<128x6144xi32>
    %reduce_min3A_366 = arith.constant dense<2147483647> : vector<128xi32>
    %reduce_min3A_367 = vector.multi_reduction <minsi>, %select_n3A_365, %reduce_min3A_366 [1] : vector<128x6144xi32> to vector<128xi32>
    %broadcast_in_dim3A_368 = vector.shape_cast %reduce_min3A_367 : vector<128xi32> to vector<128x1xi32>
    %eq3A_369 = arith.constant 16 : i32
    %eq3A_370 = vector.broadcast %eq3A_369 : i32 to vector<128x32xi32>
    %eq3A_371 = arith.cmpi eq, %iota3A_9, %eq3A_370 : vector<128x32xi32>
    %broadcast_in_dim3A_372 = vector.shape_cast %broadcast_in_dim3A_368 : vector<128x1xi32> to vector<128x1xi32>
    %broadcast_in_dim3A_373 = vector.broadcast %broadcast_in_dim3A_372 : vector<128x1xi32> to vector<128x32xi32>
    %select_n3A_374 = arith.select %eq3A_371, %broadcast_in_dim3A_373, %select_n3A_352 : vector<128x32xi1>, vector<128x32xi32>
    %eq3A_375 = vector.broadcast %broadcast_in_dim3A_368 : vector<128x1xi32> to vector<128x6144xi32>
    %eq3A_376 = arith.cmpi eq, %reshape3A_8, %eq3A_375 : vector<128x6144xi32>
    %jit3A_377 = arith.constant 0xFF800000 : f32
    %broadcast_in_dim3A_378 = vector.broadcast %jit3A_377 : f32 to vector<128x6144xf32>
    %select_n3A_379 = arith.select %eq3A_376, %broadcast_in_dim3A_378, %select_n3A_357 : vector<128x6144xi1>, vector<128x6144xf32>
    %reduce_max3A_380 = arith.constant dense<0xFF800000> : vector<128xf32>
    %reduce_max3A_381 = vector.multi_reduction <maximumf>, %select_n3A_379, %reduce_max3A_380 [1] : vector<128x6144xf32> to vector<128xf32>
    %broadcast_in_dim3A_382 = vector.shape_cast %reduce_max3A_381 : vector<128xf32> to vector<128x1xf32>
    %eq3A_383 = vector.broadcast %broadcast_in_dim3A_382 : vector<128x1xf32> to vector<128x6144xf32>
    %eq3A_384 = arith.cmpf oeq, %select_n3A_379, %eq3A_383 : vector<128x6144xf32>
    %jit3A_385 = arith.constant 2147483647 : i32
    %broadcast_in_dim3A_386 = vector.broadcast %jit3A_385 : i32 to vector<128x6144xi32>
    %select_n3A_387 = arith.select %eq3A_384, %reshape3A_8, %broadcast_in_dim3A_386 : vector<128x6144xi1>, vector<128x6144xi32>
    %reduce_min3A_388 = arith.constant dense<2147483647> : vector<128xi32>
    %reduce_min3A_389 = vector.multi_reduction <minsi>, %select_n3A_387, %reduce_min3A_388 [1] : vector<128x6144xi32> to vector<128xi32>
    %broadcast_in_dim3A_390 = vector.shape_cast %reduce_min3A_389 : vector<128xi32> to vector<128x1xi32>
    %eq3A_391 = arith.constant 17 : i32
    %eq3A_392 = vector.broadcast %eq3A_391 : i32 to vector<128x32xi32>
    %eq3A_393 = arith.cmpi eq, %iota3A_9, %eq3A_392 : vector<128x32xi32>
    %broadcast_in_dim3A_394 = vector.shape_cast %broadcast_in_dim3A_390 : vector<128x1xi32> to vector<128x1xi32>
    %broadcast_in_dim3A_395 = vector.broadcast %broadcast_in_dim3A_394 : vector<128x1xi32> to vector<128x32xi32>
    %select_n3A_396 = arith.select %eq3A_393, %broadcast_in_dim3A_395, %select_n3A_374 : vector<128x32xi1>, vector<128x32xi32>
    %eq3A_397 = vector.broadcast %broadcast_in_dim3A_390 : vector<128x1xi32> to vector<128x6144xi32>
    %eq3A_398 = arith.cmpi eq, %reshape3A_8, %eq3A_397 : vector<128x6144xi32>
    %jit3A_399 = arith.constant 0xFF800000 : f32
    %broadcast_in_dim3A_400 = vector.broadcast %jit3A_399 : f32 to vector<128x6144xf32>
    %select_n3A_401 = arith.select %eq3A_398, %broadcast_in_dim3A_400, %select_n3A_379 : vector<128x6144xi1>, vector<128x6144xf32>
    %reduce_max3A_402 = arith.constant dense<0xFF800000> : vector<128xf32>
    %reduce_max3A_403 = vector.multi_reduction <maximumf>, %select_n3A_401, %reduce_max3A_402 [1] : vector<128x6144xf32> to vector<128xf32>
    %broadcast_in_dim3A_404 = vector.shape_cast %reduce_max3A_403 : vector<128xf32> to vector<128x1xf32>
    %eq3A_405 = vector.broadcast %broadcast_in_dim3A_404 : vector<128x1xf32> to vector<128x6144xf32>
    %eq3A_406 = arith.cmpf oeq, %select_n3A_401, %eq3A_405 : vector<128x6144xf32>
    %jit3A_407 = arith.constant 2147483647 : i32
    %broadcast_in_dim3A_408 = vector.broadcast %jit3A_407 : i32 to vector<128x6144xi32>
    %select_n3A_409 = arith.select %eq3A_406, %reshape3A_8, %broadcast_in_dim3A_408 : vector<128x6144xi1>, vector<128x6144xi32>
    %reduce_min3A_410 = arith.constant dense<2147483647> : vector<128xi32>
    %reduce_min3A_411 = vector.multi_reduction <minsi>, %select_n3A_409, %reduce_min3A_410 [1] : vector<128x6144xi32> to vector<128xi32>
    %broadcast_in_dim3A_412 = vector.shape_cast %reduce_min3A_411 : vector<128xi32> to vector<128x1xi32>
    %eq3A_413 = arith.constant 18 : i32
    %eq3A_414 = vector.broadcast %eq3A_413 : i32 to vector<128x32xi32>
    %eq3A_415 = arith.cmpi eq, %iota3A_9, %eq3A_414 : vector<128x32xi32>
    %broadcast_in_dim3A_416 = vector.shape_cast %broadcast_in_dim3A_412 : vector<128x1xi32> to vector<128x1xi32>
    %broadcast_in_dim3A_417 = vector.broadcast %broadcast_in_dim3A_416 : vector<128x1xi32> to vector<128x32xi32>
    %select_n3A_418 = arith.select %eq3A_415, %broadcast_in_dim3A_417, %select_n3A_396 : vector<128x32xi1>, vector<128x32xi32>
    %eq3A_419 = vector.broadcast %broadcast_in_dim3A_412 : vector<128x1xi32> to vector<128x6144xi32>
    %eq3A_420 = arith.cmpi eq, %reshape3A_8, %eq3A_419 : vector<128x6144xi32>
    %jit3A_421 = arith.constant 0xFF800000 : f32
    %broadcast_in_dim3A_422 = vector.broadcast %jit3A_421 : f32 to vector<128x6144xf32>
    %select_n3A_423 = arith.select %eq3A_420, %broadcast_in_dim3A_422, %select_n3A_401 : vector<128x6144xi1>, vector<128x6144xf32>
    %reduce_max3A_424 = arith.constant dense<0xFF800000> : vector<128xf32>
    %reduce_max3A_425 = vector.multi_reduction <maximumf>, %select_n3A_423, %reduce_max3A_424 [1] : vector<128x6144xf32> to vector<128xf32>
    %broadcast_in_dim3A_426 = vector.shape_cast %reduce_max3A_425 : vector<128xf32> to vector<128x1xf32>
    %eq3A_427 = vector.broadcast %broadcast_in_dim3A_426 : vector<128x1xf32> to vector<128x6144xf32>
    %eq3A_428 = arith.cmpf oeq, %select_n3A_423, %eq3A_427 : vector<128x6144xf32>
    %jit3A_429 = arith.constant 2147483647 : i32
    %broadcast_in_dim3A_430 = vector.broadcast %jit3A_429 : i32 to vector<128x6144xi32>
    %select_n3A_431 = arith.select %eq3A_428, %reshape3A_8, %broadcast_in_dim3A_430 : vector<128x6144xi1>, vector<128x6144xi32>
    %reduce_min3A_432 = arith.constant dense<2147483647> : vector<128xi32>
    %reduce_min3A_433 = vector.multi_reduction <minsi>, %select_n3A_431, %reduce_min3A_432 [1] : vector<128x6144xi32> to vector<128xi32>
    %broadcast_in_dim3A_434 = vector.shape_cast %reduce_min3A_433 : vector<128xi32> to vector<128x1xi32>
    %eq3A_435 = arith.constant 19 : i32
    %eq3A_436 = vector.broadcast %eq3A_435 : i32 to vector<128x32xi32>
    %eq3A_437 = arith.cmpi eq, %iota3A_9, %eq3A_436 : vector<128x32xi32>
    %broadcast_in_dim3A_438 = vector.shape_cast %broadcast_in_dim3A_434 : vector<128x1xi32> to vector<128x1xi32>
    %broadcast_in_dim3A_439 = vector.broadcast %broadcast_in_dim3A_438 : vector<128x1xi32> to vector<128x32xi32>
    %select_n3A_440 = arith.select %eq3A_437, %broadcast_in_dim3A_439, %select_n3A_418 : vector<128x32xi1>, vector<128x32xi32>
    %swap3A = arith.constant 0 : index
    %swap3A_441 = arith.constant 0 : index
    %swap3A_442 = vector.load %arg3[%swap3A, %swap3A_441] : memref<128x32xi32, #tpu.memory_space<vmem>>, vector<128x32xi32>
    tpu.vector_store %arg3[%swap3A, %swap3A_441], %select_n3A_440 {strides = array<i32>} : memref<128x32xi32, #tpu.memory_space<vmem>>, vector<128x32xi32>,
    return
  }
  func.func @transform_0(%arg0: i32) -> (i32, i32) {
    %c0_i32 = arith.constant 0 : i32
    %c0_i32_0 = arith.constant 0 : i32
    return %arg0, %c0_i32 : i32, i32
  }
  func.func @transform_1(%arg0: i32) -> (i32, i32) {
    %c0_i32 = arith.constant 0 : i32
    %c0_i32_0 = arith.constant 0 : i32
    return %arg0, %c0_i32 : i32, i32
  }
  func.func @transform_2(%arg0: i32) -> (i32, i32) {
    %c0_i32 = arith.constant 0 : i32
    %c0_i32_0 = arith.constant 0 : i32
    return %arg0, %c0_i32 : i32, i32
  }
}

</mosaic_0001>

<sc_bundles>
// kernel: kernel.5.cloned.1.call-start
scs
__scs_entry_jumppad:
0x0: {  	(pc) =	sbr.rel $0x88, $3  }
0x1: {  	(tag) =	ssettag $0x0;
	lr =	simm.s32 $0x1  }
0x2: {  	[smem:$0x3F9F] =	sst lr;
	_ =	strace $0xD0000000  }
0x3: {  	_ = 	snop  }
0x4: {  	_ = 	snop  }
0x5: {  	_ = 	snop  }
0x6: {  	_ = 	snop  }
0x7: {  	_ = 	snop  }
__scs_overlays_trampoline_lowered:
0x8: {  	[smem:$0x3FAE] =	sst s0  }
0x9: {  	[smem:$0x3FAF] =	sst s1  }
0xa: {  	[smem:$0x3FB0] =	sst s2  }
0xb: {  	[smem:$0x3FB1] =	sst s3  }
0xc: {  	[smem:$0x3FB2] =	sst s4  }
0xd: {  	[smem:$0x3FB3] =	sst s5  }
0xe: {  	[smem:$0x3FB4] =	sst s6  }
0xf: {  	[smem:$0x3FB5] =	sst s7  }
0x10: {  	[smem:$0x3FB6] =	sst s8  }
0x11: {  	[smem:$0x3FB7] =	sst s9;
	s0 =	simm.s32 @!p0 $0x0  }
0x12: {  	s1 =	sld [smem:$0x3F9D];
	s0 =	simm.s32 @p0 $0x1  }
0x13: {  	[smem:$0x3FB8] =	sst s0;
	s0 =	simm.s32 @!p1 $0x0  }
0x14: {  	s2 =	sld [smem:$0x3F9C];
	s0 =	simm.s32 @p1 $0x1  }
0x15: {  	[smem:$0x3FB9] =	sst s0;
	s0 =	simm.s32 @!p2 $0x0  }
0x16: {  	s3 =	sld [smem:$0x3FDB];
	s0 =	simm.s32 @p2 $0x1  }
0x17: {  	s4 =	simm.s32 $0x1BF5;
	[smem:$0x3FBB] =	sst s0  }
0x18: {  	s0 =	sld [smem:$0x3F9E];
	_ =	swait.ge [sflag:s4], $0x0  }
0x19: {  	s7 =	sld [smem:$0x3F9F]  }
0x1a: {  	s8 =	sadd.s32 $0xFFFFE003, lr  }
0x1b: {  	s9 =	sadd.s32 $0xFFFFFEF7, lr;
	s5 =	simm.s32 $0xFFFFFFFF;
	p2 =	slt.u32 s8, $0xFFFFF086  }
0x1c: {  	p1 =	slt.u32 s9, $0xF7A;
	s5 =	simm.s32 @!p2 $0x0  }
0x1d: {  	s5 =	simm.s32 @p1 $0x1;
	p0 =	seq.s32 s7, s2  }
0x1e: {  	s7 =	smul.u32 @!p0 $0xF7A, s2;
	p2 =	seq.s32 @!p0 s5, $0x0  }
0x1f: {  	s9 =	smul.u32 $0xF7A, s1;
	s8 =	simm.s32 @!p0 $0x1BF5;
	p2 =	por !p2, p0  }
0x20: {  	[sflag:s8] =	ssyncset.s32 @!p0 $0xFFFFF086;
	s6 =	sadd.s32 @!p0 s3, s7;
	s7 =	simm.s32 @!p0 $0x108  }
0x21: {  	s3 =	sadd.s32 s3, s9;
	s6 =	sadd.s32 @!p0 $0x88, s6;
	s7 =	simm.s32 @p2 $0x1082  }
0x22: {  	[simem:s7], [sflag:s8] =	dma.local @!p0 [hbm:s6], $0xF7A  }
0x23: {  	s9 =	sor.u32 $0xD0000000, s2;
	s6 =	simm.s32 $0x108;
	_ =	swait.ge @!p0 [sflag:s8], $0x0  }
0x24: {  	s3 =	sadd.s32 $0x88, s3;
	s6 =	simm.s32 @!p1 $0x1082;
	[sflag:s4] =	ssyncset.s32 $0xFFFFF086  }
0x25: {  	[simem:s6], [sflag:s4] =	dma.local [hbm:s3], $0xF7A  }
0x26: {  	[smem:$0x3F9F] =	sst s1;
	(tag) =	ssettag s2;
	_ =	strace s9  }
0x27: {  	s1 =	sld [smem:$0x3FAF]  }
0x28: {  	s2 =	sld [smem:$0x3FB0]  }
0x29: {  	s4 =	sld [smem:$0x3FB2]  }
0x2a: {  	p0 =	seq.s32 s5, $0x0;
	s5 =	sld [smem:$0x3FB3]  }
0x2b: {  	s6 =	sld [smem:$0x3FB4]  }
0x2c: {  	s7 =	sld [smem:$0x3FB5]  }
0x2d: {  	s3 =	simm.s32 $0x108;
	s8 =	sld [smem:$0x3FB6]  }
0x2e: {  	s3 =	simm.s32 @!p0 $0x1082;
	s9 =	sld [smem:$0x3FB7]  }
0x2f: {  	lr =	sadd.s32 s0, s3;
	s0 =	sld [smem:$0x3FAE]  }
0x30: {  	s3 =	sld [smem:$0x3FB1]  }
0x31: {  	[smem:$0x3FBA] =	sst s10  }
0x32: {  	s10 =	sld [smem:$0x3FB8];
	_ =	sdelay $0x3  }
0x33: {  	p0 =	seq.s32 s10, $0x1;
	s10 =	sld [smem:$0x3FBA];
	_ =	sdelay $0x3  }
0x34: {  	[smem:$0x3FBA] =	sst s10  }
0x35: {  	s10 =	sld [smem:$0x3FB9];
	_ =	sdelay $0x3  }
0x36: {  	p1 =	seq.s32 s10, $0x1;
	s10 =	sld [smem:$0x3FBA];
	_ =	sdelay $0x3  }
0x37: {  	[smem:$0x3FBA] =	sst s10  }
0x38: {  	s10 =	sld [smem:$0x3FBB]  }
0x39: {  	_ = 	snop;
	(pc) =	sbr.ind lr, $3  }
0x3a: {  	_ = 	snop  }
0x3b: {  	_ = 	snop  }
0x3c: {  	p2 =	seq.s32 s10, $0x1;
	s10 =	sld [smem:$0x3FBA]  }
0x3d: {  	_ =	shalt  }
0x3e: {  	_ =	shalt  }
0x3f: {  	_ =	shalt  }
0x40: {  	_ =	shalt  }
0x41: {  	_ =	shalt  }
0x42: {  	_ =	shalt  }
0x43: {  	_ =	shalt  }
0x44: {  	_ =	shalt  }
0x45: {  	_ =	shalt  }
0x46: {  	_ =	shalt  }
0x47: {  	_ =	shalt  }
0x48: {  	_ =	shalt  }
0x49: {  	_ =	shalt  }
0x4a: {  	_ =	shalt  }
0x4b: {  	_ =	shalt  }
0x4c: {  	_ =	shalt  }
0x4d: {  	_ =	shalt  }
0x4e: {  	_ =	shalt  }
0x4f: {  	_ =	shalt  }
0x50: {  	_ =	shalt  }
0x51: {  	_ =	shalt  }
0x52: {  	_ =	shalt  }
0x53: {  	_ =	shalt  }
0x54: {  	_ =	shalt  }
0x55: {  	_ =	shalt  }
0x56: {  	_ =	shalt  }
0x57: {  	_ =	shalt  }
0x58: {  	_ =	shalt  }
0x59: {  	_ =	shalt  }
0x5a: {  	_ =	shalt  }
0x5b: {  	_ =	shalt  }
0x5c: {  	_ =	shalt  }
0x5d: {  	_ =	shalt  }
0x5e: {  	_ =	shalt  }
0x5f: {  	_ =	shalt  }
0x60: {  	_ =	shalt  }
0x61: {  	_ =	shalt  }
0x62: {  	_ =	shalt  }
0x63: {  	_ =	shalt  }
0x64: {  	_ =	shalt  }
0x65: {  	_ =	shalt  }
0x66: {  	_ =	shalt  }
0x67: {  	_ =	shalt  }
0x68: {  	_ =	shalt  }
0x69: {  	_ =	shalt  }
0x6a: {  	_ =	shalt  }
0x6b: {  	_ =	shalt  }
0x6c: {  	_ =	shalt  }
0x6d: {  	_ =	shalt  }
0x6e: {  	_ =	shalt  }
0x6f: {  	_ =	shalt  }
0x70: {  	_ =	shalt  }
0x71: {  	_ =	shalt  }
0x72: {  	_ =	shalt  }
0x73: {  	_ =	shalt  }
0x74: {  	_ =	shalt  }
0x75: {  	_ =	shalt  }
0x76: {  	_ =	shalt  }
0x77: {  	_ =	shalt  }
0x78: {  	_ =	shalt  }
0x79: {  	_ =	shalt  }
0x7a: {  	_ =	shalt  }
0x7b: {  	_ =	shalt  }
0x7c: {  	_ =	shalt  }
0x7d: {  	_ =	shalt  }
0x7e: {  	_ =	shalt  }
0x7f: {  	_ =	shalt  }
0x80: {  	_ =	shalt  }
0x81: {  	_ =	shalt  }
0x82: {  	_ =	shalt  }
0x83: {  	_ =	shalt  }
0x84: {  	_ =	shalt  }
0x85: {  	_ =	shalt  }
0x86: {  	_ =	shalt  }
0x87: {  	_ =	shalt  }
.Lfunc_end0:
.L_simem_size_0:
called_computation_lowered:
.L_overlay_start_0:
0x88: {  	s2 =	sld [smem:$0x3FD9]  }
0x89: {  	s3 =	sld [smem:$0x3FFE];
	_ =	sdelay $0x1  }
0x8a: {  	s1 =	srdreg.scid  }
0x8b: {  	s0 =	sand.u32 $0x1, s1  }
0x8c: {  	s16 =	sshll.u32 s0, $0xA;
	s2 =	sadd.s32 s3, s2  }
0x8d: {  	s2 =	sadd.s32 s2, s16  }
0x8e: {  	[smem:$0x3FC6] =	sst s2  }
0x8f: {  	_ = 	snop  }
0x90: {  	(tm) =	ssettm $0x1  }
0x91: {  	s17 =	sld [smem:$0x3FFB];
	_ =	sdelay $0x3  }
0x92: {  	_ =	strace s17  }
0x93: {  	s2 =	sld [smem:$0x3FFC];
	_ =	sdelay $0x3  }
0x94: {  	_ =	strace s2  }
0x95: {  	s2 =	sld [smem:$0x3FFD];
	_ =	sdelay $0x3  }
0x96: {  	_ =	strace s2  }
0x97: {  	_ =	strace $0x8FFFFFFF  }
0x98: {  	s18 =	sld [smem:$0x3FDB];
	_ =	sdelay $0x1  }
0x99: {  	s19 =	simm.s32 $_scs_section_size  }
0x9a: {  	s4 =	simm.s32 $_size__tile_overlayer_lowered;
	s5 =	simm.s32 $_tile_overlayer_lowered  }
0x9b: {  	s22 =	simm.s32 $0x1BFF;
	s21 =	sshll.u32 s5, $0x1;
	s2 =	sadd.s32 s19, s18  }
0x9c: {  	s6 =	simm.s32 $0x0;
	s20 =	sshll.u32 s4, $0x1;
	s4 =	sadd.s32 s21, s2  }
0x9d: {  	[timem:s6], [sflag:s22] =	dma.local [hbm:s4], s20  }
0x9e: {  	_ =	swait.ge [sflag:s22], s20  }
0x9f: {  	s3 =	ssub.s32 $0x0, s20;
	[sflag:s22] =	ssyncset.done $0x0  }
0xa0: {  	[sflag:s22] =	ssyncadd.s32 s3;
	_ =	sdelay $0x1  }
0xa1: {  	s23 =	simm.s32 $0x1B8B  }
0xa2: {  	_ =	swait.ge [sflag:s23], $0x1  }
0xa3: {  	[sflag:s23] =	ssyncset.done $0x0  }
0xa4: {  	s25 =	simm.s32 $0x1B8E;
	s24 =	sld [smem:$0x3FFE];
	[sflag:s23] =	ssyncadd.s32 $0xFFFFFFFF  }
0xa5: {  	s26 =	simm.s32 $execute0_lowered;
	[smem:$0x3FD2] =	sst s25  }
0xa6: {  	s4 =	sshll.u32 s26, $0x1;
	_ =	strace $0x80000046;
	[dreg:$0x1] =	wrdreg $0xFFFFFFFF  }
0xa7: {  	s28 =	simm.s32 $_size_execute0_lowered;
	s2 =	sadd.s32 s2, s4;
	[dreg:$0x0] =	wrdreg $0x0  }
0xa8: {  	s4 =	sshll.u32 s28, $0x1;
	[dreg:$0x2] =	wrdreg s2  }
0xa9: {  	[dreg:$0x3] =	wrdreg s4  }
0xaa: {  	[dreg:$0x4] =	wrdreg $0xC0  }
0xab: {  	_ =	task [dreg:s6], $0x5FFFF  }
0xac: {  	[dreg:$0x1] =	wrdreg $0xFFFFFFFF  }
0xad: {  	[dreg:$0x0] =	wrdreg $0x60  }
0xae: {  	[dreg:$0x2] =	wrdreg s24  }
0xaf: {  	[dreg:$0x3] =	wrdreg $0x9  }
0xb0: {  	_ =	task.clear_ibuf [dreg:s6], $0x4FFFF;
	_ =	strace $0x90000046  }
0xb1: {  	s29 =	simm.s32 $0x9;
	_ =	strace $0x80000048  }
0xb2: {  	_ =	swait.ge [sflag:s29], $0x1  }
0xb3: {  	[sflag:s29] =	ssyncadd.s32 $0xFFFFFFFF  }
0xb4: {  	_ =	strace $0x90000048  }
0xb5: {  	_ =	sfence  }
0xb6: {  	s30 =	sld [smem:$0x0];
	_ =	sdelay $0x2  }
0xb7: {  	s31 =	sshll.u32 s1, $0xD;
	s1 =	sshrl.u32 s1, $0x2  }
0xb8: {  	s3 =	sand.u32 $0x4000, s31;
	s1 =	sadd.s32 s1, s30  }
0xb9: {  	s0 =	sor.u32 s3, s0;
	s1 =	sshll.u32 s1, $0x11  }
0xba: {  	s0 =	sor.u32 s1, s0  }
0xbb: {  	s0 =	sadd.s32 $0x8F2B, s0  }
0xbc: {  	[sflag:s0] =	ssyncadd.remote.s32 $0x1  }
0xbd: {  	_ =	sfence.sel $0xFFFF  }
0xbe: {  	[dreg:$0x0] =	wrdreg $0xFFFFFFFF;
	(pc) =	sbr.abs _section_cstart, $3  }
0xbf: {  	[dreg:$0x1] =	wrdreg $0xFFFFFFFF  }
0xc0: {  	_ =	task.clear_ibuf [dreg:s6], $0x2FFFF;
	_ =	strace $0x9FFFFFFF  }
0xc1: {  	(tm) =	ssettm $0x7FFFFFFF  }
tec
execute0_lowered:
.L_overlay_start_1:
0x0: {  	(tag) =	ssettag $0x1  }
0x1: {  	s5 =	rddreg [dreg:$0x0]  }
0x2: {  	s0 =	rddreg [dreg:$0x1];
	s2 =	simm.s32 $0x0;
	s3 =	srdreg.scid  }
0x3: {  	s1 =	stileid.u32;
	s12 =	simm.s32 $0x100;
	s13 =	simm.s32 $0x1  }
0x4: {  	s14 =	simm.s32 $0x0;
	[smem:$0x7FF] =	sst s2;
	s7 =	smul.u32 $0xC000, s1  }
0x5: {  	s6 =	sand.u32 $0x1, s3;
	s3 =	sadd.s32 $0x1027400, s5;
	s10 =	smul.u32 $0xD000, s1  }
0x6: {  	s4 =	sadd.s32 $0xA00, s5;
	s11 =	sshll.u32 s1, $0xA;
	s30 =	smul.u32 $0x6000, s6  }
0x7: {  	_ =	strace $0x80000047;
	s8 =	ssub.s32 $0x2, s6;
	s31 =	smul.u32 $0x6800, s6  }
0x8: {  	s6 =	sshll.u32 s6, $0x9;
	s9 =	sshrl.u32 s8, $0x1;
	s7 =	sadd.s32 s7, s5  }
0x9: {  	s6 =	sor.u32 s6, s11;
	s11 =	simm.s32 $0x80;
	s8 =	ssub.s32 s8, s9  }
0xa: {  	s9 =	sadd.s32 s30, s7;
	s7 =	sadd.s32 s31, s10;
	s10 =	simm.s32 $0x30  }
0xb: {  	s5 =	smax.u32 s8, $0x1;
	s8 =	sadd.s32 $0x4A00, s9;
	s9 =	simm.s32 $0x2  }
.LBB2_1:
0xc: {  	s15 =	sadd.s32 $0x0, s6;
	s16 =	sand.u32 $0x70, s2  }
0xd: {  	s15 =	sand.u32 $0x3F80, s15;
	s16 =	sadd.s32 s4, s16  }
0xe: {  	s15 =	sadd.s32 s15, s16  }
0xf: {  	[tilespmem:s2], [sflag:$0x2] =	stream.linear.gather [hbm4b:s15+s2], $0x80, $0x38;
	[tilespmem:$0x1900] =	vst v63  }
0x10: {  	_ =	swait.ge [sflag:s9], $0x80  }
0x11: {  	[sflag:s9] =	ssyncset.done $0x0  }
0x12: {  	[sflag:s9] =	ssyncadd.s32 $0xFFFFFF80  }
0x13: {  	v0 =	vld [tilespmem:$0x20]  }
0x14: {  	v1 =	vld [tilespmem:$0x0]  }
0x15: {  	v2 =	vld [tilespmem:$0x10];
	_ =	sdelay $0x2  }
0x16: {  	v0 =	vadd.s32 s7, v0  }
0x17: {  	v1 =	vadd.s32 s7, v1;
	[tilespmem:$0xA0] =	vst v0  }
0x18: {  	v63 =	vadd.s32 s7, v2;
	[tilespmem:$0x80] =	vst v1  }
0x19: {  	[tilespmem:$0x90] =	vst v63  }
0x1a: {  	[tilespmem:s12], [sflag:$0x1] =	stream.indirect.gather [hbm4b:s3+s10], $0x80, s11, s10, $0xb8;
	[tilespmem:$0x1900] =	vst v63  }
0x1b: {  	_ =	swait.ge [sflag:s13], $0x1800  }
0x1c: {  	s17 =	simm.s32 $0x10;
	s18 =	simm.s32 $0x20;
	[sflag:s13] =	ssyncset.done $0x0  }
0x1d: {  	s16 =	sadd.s32 $0x340, s7;
	s15 =	sadd.s32 $0x300, s8;
	[sflag:s13] =	ssyncadd.s32 $0xFFFFE800  }
0x1e: {  	[hbm4b:s8+s2] =	stream.linear.scatter [tilespmem:s12], [sflag:$0x2], $0x1800, $0x38;
	[tilespmem:$0x1900] =	vst v63  }
.LBB2_2:
0x1f: {  	s19 =	sadd.s32 s17, s6;
	s20 =	sand.u32 $0x70, s17  }
0x20: {  	_ =	swait.ge [sflag:s9], $0x1800;
	s17 =	smov.u32 s18;
	s21 =	smov.u32 s15  }
0x21: {  	s19 =	sand.u32 $0x3F80, s19;
	s20 =	sadd.s32 s4, s20;
	[sflag:s9] =	ssyncset.done $0x0  }
0x22: {  	s22 =	sadd.s32 $0x10, s18;
	s19 =	sadd.s32 s19, s20;
	[sflag:s9] =	ssyncadd.s32 $0xFFFFE800  }
0x23: {  	[tilespmem:s2], [sflag:$0x2] =	stream.linear.gather [hbm4b:s19+s2], $0x80, $0x38;
	[tilespmem:$0x1900] =	vst v63  }
0x24: {  	p0 =	sne.s32 s18, $0x1F0;
	_ =	swait.ge [sflag:s9], $0x80  }
0x25: {  	[sflag:s9] =	ssyncset.done $0x0  }
0x26: {  	[sflag:s9] =	ssyncadd.s32 $0xFFFFFF80  }
0x27: {  	v0 =	vld [tilespmem:$0x20]  }
0x28: {  	v1 =	vld [tilespmem:$0x0]  }
0x29: {  	v2 =	vld [tilespmem:$0x10];
	_ =	sdelay $0x2  }
0x2a: {  	v0 =	vadd.s32 s16, v0  }
0x2b: {  	v1 =	vadd.s32 s16, v1;
	[tilespmem:$0xA0] =	vst v0  }
0x2c: {  	[tilespmem:$0x80] =	vst v1;
	v0 =	vadd.s32 s16, v2  }
0x2d: {  	[tilespmem:$0x90] =	vst v0  }
0x2e: {  	[tilespmem:s12], [sflag:$0x1] =	stream.indirect.gather [hbm4b:s3+s10], $0x80, s11, s10, $0xb8;
	[tilespmem:$0x1900] =	vst v63  }
.Ltmp0:
0x2f: {  	_ = 	snop;
	(pc) =	sbr.rel @p0 .LBB2_2-.Ltmp0, $4  }
0x30: {  	_ =	swait.ge [sflag:s13], $0x1800  }
0x31: {  	s15 =	sadd.s32 $0x300, s15;
	[sflag:s13] =	ssyncset.done $0x0  }
0x32: {  	s18 =	smov.u32 s22;
	s16 =	sadd.s32 $0x340, s16;
	[sflag:s13] =	ssyncadd.s32 $0xFFFFE800  }
0x33: {  	[hbm4b:s21+s2] =	stream.linear.scatter [tilespmem:s12], [sflag:$0x2], $0x1800, $0x38;
	[tilespmem:$0x1900] =	vst v63  }
0x34: {  	s18 =	sadd.s32 s17, s6;
	s31 =	sand.u32 $0x70, s17;
	_ =	swait.ge [sflag:s9], $0x1800  }
0x35: {  	s18 =	sand.u32 $0x3F80, s18;
	s17 =	sadd.s32 s4, s31;
	[sflag:s9] =	ssyncset.done $0x0  }
0x36: {  	s17 =	sadd.s32 s18, s17;
	[sflag:s9] =	ssyncadd.s32 $0xFFFFE800  }
0x37: {  	[tilespmem:s2], [sflag:$0x2] =	stream.linear.gather [hbm4b:s17+s2], $0x80, $0x38;
	[tilespmem:$0x1900] =	vst v63  }
0x38: {  	_ =	swait.ge [sflag:s9], $0x80  }
0x39: {  	[sflag:s9] =	ssyncset.done $0x0  }
0x3a: {  	[sflag:s9] =	ssyncadd.s32 $0xFFFFFF80  }
0x3b: {  	v0 =	vld [tilespmem:$0x20]  }
0x3c: {  	v1 =	vld [tilespmem:$0x0]  }
0x3d: {  	v2 =	vld [tilespmem:$0x10];
	_ =	sdelay $0x2  }
0x3e: {  	v0 =	vadd.s32 s16, v0  }
0x3f: {  	v1 =	vadd.s32 s16, v1;
	[tilespmem:$0xA0] =	vst v0  }
0x40: {  	v63 =	vadd.s32 s16, v2;
	[tilespmem:$0x80] =	vst v1  }
0x41: {  	[tilespmem:$0x90] =	vst v63  }
0x42: {  	[tilespmem:s12], [sflag:$0x1] =	stream.indirect.gather [hbm4b:s3+s10], $0x80, s11, s10, $0xb8;
	[tilespmem:$0x1900] =	vst v63  }
0x43: {  	s14 =	sadd.s32 $0x1, s14;
	_ =	swait.ge [sflag:s13], $0x1800  }
0x44: {  	p0 =	sne.s32 s14, s5;
	[sflag:s13] =	ssyncset.done $0x0  }
.Ltmp1:
0x45: {  	[sflag:s13] =	ssyncadd.s32 $0xFFFFE800;
	(pc) =	sbr.rel @p0 .LBB2_1-.Ltmp1, $4  }
0x46: {  	[hbm4b:s15+s2] =	stream.linear.scatter [tilespmem:s12], [sflag:$0x2], $0x1800, $0x38;
	[tilespmem:$0x1900] =	vst v63  }
0x47: {  	_ =	swait.ge [sflag:s9], $0x1800  }
0x48: {  	[sflag:s9] =	ssyncset.done $0x0  }
0x49: {  	[sflag:s9] =	ssyncadd.s32 $0xFFFFE800  }
0x4a: {  	_ =	sfence.sel $0x180000  }
0x4b: {  	[bflag:$0x0] =	sbarrier.arrive $0xFFFF  }
0x4c: {  	p0 =	sne.s32 s1, $0x0;
	_ =	strace $0x90000047  }
0x4d: {  	s0 =	sadd.s32 @!p0 $0x100000, s0;
	[bflag:$0x2] =	sbarrier.arrive $0xFFFF  }
0x4e: {  	[sflag:s0] =	ssyncadd.tile.s32 @!p0 $0x1;
	_ =	shalt  }
.Lfunc_end2:
_tile_overlayer_lowered:
.L_overlay_start_2:
0x4f: {  	(tag) =	ssettag $0x2  }
0x50: {  	s0 =	rddreg [dreg:$0x0];
	s2 =	stileid.u32  }
0x51: {  	s1 =	rddreg [dreg:$0x1];
	p0 =	sne.s32 s2, $0x0  }
0x52: {  	s3 =	rddreg [dreg:$0x2];
	[bflag:$0x3] =	sbarrier.arrive $0xFFFF;
	s2 =	simm.s32 @!p0 $0x1C02  }
0x53: {  	[timem:s3], [sflag:s2] =	dma.local @!p0 [hbm:s0], s1  }
0x54: {  	s0 =	simm.s32 @!p0 $0x2  }
0x55: {  	_ =	swait.ge @!p0 [sflag:s0], s1  }
0x56: {  	s1 =	ssub.s32 @!p0 $0x0, s1;
	[sflag:s0] =	ssyncset.done @!p0 $0x0  }
0x57: {  	[sflag:s0] =	ssyncadd.s32 @!p0 s1  }
0x58: {  	[bflag:$0x3] =	sbarrier.arrive $0xFFFF  }
0x59: {  	_ =	shalt  }

</sc_bundles>
